<compile_context>
chip_gen: v7x
topology: tpu7x:2x2x1
jax: 0.10.2.dev20260603
libtpu: 0.0.44.dev20260713+nightly
codegen_flags: <defaults>
</compile_context>

<pallas_src>
import functools

import jax
import jax.numpy as jnp
from jax import lax
from jax.experimental import pallas as pl
from jax.experimental.pallas import tpu as pltpu
from jax.experimental.pallas import tpu_sc as plsc

_N = 10000
_E = 160000
_NIN = 128
_NOUT = 128
_CB = 32
_K = 27

_NC = 2
_NS = 16
_L = 16

_EPAD = 163840
_CHUNK = 128
_NCH = 40
_EPT = _NCH * _CHUNK
_NBUF = 8
_NACC = 10240
_JUNK = 10200
_RPT = _NACC // _NS
_ZR = 64
_NT = 7


def _tc1_body(x_ref, w1_ref, b1_ref, w2_ref, ht_ref):
    h = jnp.dot(x_ref[...], w1_ref[...], preferred_element_type=jnp.float32)
    h = jnp.maximum(h + b1_ref[...], 0.0)
    for t in range(_NT):
        ht_ref[t] = jnp.dot(h, w2_ref[:, pl.ds(t * 128, 128)],
                            preferred_element_type=jnp.float32)


def _tc2_body(p_ref, x_ref, b2_ref, w3_ref, b3_ref, o_ref):
    bn = p_ref.shape[1]
    slabs = []
    for q in range(4):
        qs = pl.ds(q * _CB, _CB)
        h2 = jnp.maximum(p_ref[0, :, qs] + p_ref[1, :, qs] + b2_ref[...], 0.0)
        h3 = jnp.dot(h2, w3_ref[...], preferred_element_type=jnp.float32)
        qo = pl.ds(q * _NOUT, _NOUT)
        slabs.append(jnp.maximum(
            (h3 + b3_ref[...] + x_ref[:, qo]) * 0.5, 0.0))
    y = jnp.concatenate(slabs, axis=1)
    o_ref[...] = y.reshape(4 * bn, _NOUT)


def _sc_body(ht_hbm, src_hbm, kidx_hbm, dst_hbm, out_hbm,
             srcbuf, kidxbuf, gidx, dstbuf, rows, zbuf, acc,
             sg0, sg1, sg2, sg3, sg4, sg5, sg6, sg7, lsem):
    sems = (sg0, sg1, sg2, sg3, sg4, sg5, sg6, sg7)
    c = lax.axis_index("c")
    s = lax.axis_index("s")
    wid = c * _NS + s
    ebase = wid * _EPT

    def gather(j, b):
        pltpu.async_copy(ht_hbm.at[gidx.at[pl.ds(j * _CHUNK, _CHUNK)]],
                         rows.at[b], sems[b])

    def wait_gather(b):
        pltpu.make_async_copy(ht_hbm.at[pl.ds(0, _CHUNK)], rows.at[b],
                              sems[b]).wait()

    pltpu.async_copy(src_hbm.at[pl.ds(ebase, _EPT)], srcbuf, lsem)
    pltpu.async_copy(kidx_hbm.at[pl.ds(ebase, _EPT)], kidxbuf, lsem)
    pltpu.async_copy(dst_hbm.at[pl.ds(wid * _NCH, _NCH)], dstbuf, lsem)

    z16 = jnp.zeros((_L,), jnp.float32)

    def zero_zbuf(r, carry):
        zbuf[r, pl.ds(0, _L)] = z16
        zbuf[r, pl.ds(_L, _L)] = z16
        return carry
    lax.fori_loop(0, _ZR, zero_zbuf, 0)

    pltpu.make_async_copy(src_hbm.at[pl.ds(0, _EPT)], srcbuf, lsem).wait()
    pltpu.make_async_copy(src_hbm.at[pl.ds(0, _EPT)], kidxbuf, lsem).wait()
    pltpu.make_async_copy(dst_hbm.at[pl.ds(0, _NCH)], dstbuf, lsem).wait()

    for t in range(_RPT // _ZR):
        pltpu.async_copy(zbuf, acc.at[pl.ds(s * _RPT + t * _ZR, _ZR)], lsem)

    def build_idx(i, carry):
        o = i * _L
        kv = kidxbuf[pl.ds(o, _L)]
        sv = srcbuf[pl.ds(o, _L)]
        gidx[pl.ds(o, _L)] = (
            lax.shift_right_logical(kv, 2) * (4 * _N)
            + sv * 4 + lax.bitwise_and(kv, 3))
        return carry
    lax.fori_loop(0, _EPT // _L, build_idx, 0)

    for b in range(_NBUF):
        gather(b, b)

    for t in range(_RPT // _ZR):
        pltpu.make_async_copy(ht_hbm.at[pl.ds(0, _ZR)], zbuf, lsem).wait()
    plsc.subcore_barrier()

    def chunk_round(jj, carry):
        j = jj * _NBUF
        for b in range(_NBUF):
            wait_gather(b)
            pltpu.sync_copy(rows.at[b], acc.at[dstbuf.at[j + b]], add=True)

            @pl.when(j + b + _NBUF < _NCH)
            def _():
                gather(j + b + _NBUF, b)
        return carry
    lax.fori_loop(0, _NCH // _NBUF, chunk_round, 0)
    plsc.subcore_barrier()

    pltpu.sync_copy(acc.at[pl.ds(s * _RPT, _RPT)],
                    out_hbm.at[pl.ds(c * _NACC + s * _RPT, _RPT)])


@jax.jit
def kernel(x, W1, b1, W2, b2, W3, b3, edge_src, edge_dst, edge_kidx):
    npad = _EPAD - _E
    spread = jnp.arange(npad, dtype=jnp.int32)
    src_p = jnp.concatenate([edge_src, spread % _N])
    kidx_p = jnp.concatenate([edge_kidx, jnp.zeros((npad,), jnp.int32)])
    dst_p = jnp.concatenate(
        [edge_dst, _N + spread % (_NACC - _N)]).reshape(-1, _CHUNK)

    bn1 = 2048
    grid1 = pl.cdiv(_N, bn1)
    w2all = jnp.transpose(W2, (1, 0, 2)).reshape(_CB, _K * _CB)
    w2pad = jnp.concatenate(
        [w2all, jnp.zeros((_CB, _NT * 128 - _K * _CB), jnp.float32)], axis=1)
    ht = pl.pallas_call(
        _tc1_body,
        grid=(grid1,),
        in_specs=[
            pl.BlockSpec((bn1, _NIN), lambda i: (i, 0)),
            pl.BlockSpec((_NIN, _CB), lambda i: (0, 0)),
            pl.BlockSpec((1, _CB), lambda i: (0, 0)),
            pl.BlockSpec((_CB, _NT * 128), lambda i: (0, 0)),
        ],
        out_specs=pl.BlockSpec((_NT, bn1, 128), lambda i: (0, i, 0)),
        out_shape=jax.ShapeDtypeStruct((_NT, _N, 128), jnp.float32),
    )(x, W1, b1.reshape(1, _CB), w2pad)
    ht_rows = ht.reshape(_NT * _N * 4, _CB)

    mesh = plsc.VectorSubcoreMesh(core_axis_name="c", subcore_axis_name="s")
    partial = pl.kernel(
        _sc_body,
        out_type=jax.ShapeDtypeStruct((_NC * _NACC, _CB), jnp.float32),
        mesh=mesh,
        compiler_params=pltpu.CompilerParams(use_tc_tiling_on_sc=False),
        scratch_types=[
            pltpu.VMEM((_EPT,), jnp.int32),
            pltpu.VMEM((_EPT,), jnp.int32),
            pltpu.VMEM((_EPT,), jnp.int32),
            pltpu.VMEM((_NCH, _CHUNK), jnp.int32),
            pltpu.VMEM((_NBUF, _CHUNK, _CB), jnp.float32),
            pltpu.VMEM((_ZR, _CB), jnp.float32),
            pltpu.VMEM_SHARED((_NACC, _CB), jnp.float32),
        ] + [pltpu.SemaphoreType.DMA] * (_NBUF + 1),
    )(ht_rows, src_p, kidx_p, dst_p)
    psum = partial.reshape(_NC, _NACC // 4, 4 * _CB)
    x4 = x.reshape(_N // 4, 4 * _NIN)

    bn2 = 512
    grid2 = pl.cdiv(_N // 4, bn2)
    out = pl.pallas_call(
        _tc2_body,
        grid=(grid2,),
        in_specs=[
            pl.BlockSpec((_NC, bn2, 4 * _CB), lambda i: (0, i, 0)),
            pl.BlockSpec((bn2, 4 * _NIN), lambda i: (i, 0)),
            pl.BlockSpec((1, _CB), lambda i: (0, 0)),
            pl.BlockSpec((_CB, _NOUT), lambda i: (0, 0)),
            pl.BlockSpec((1, _NOUT), lambda i: (0, 0)),
        ],
        out_specs=pl.BlockSpec((4 * bn2, _NOUT), lambda i: (i, 0)),
        out_shape=jax.ShapeDtypeStruct((_N, _NOUT), jnp.float32),
    )(psum, x4, b2.reshape(1, _CB), W3, b3.reshape(1, _NOUT))
    return out

# --- scband reference (transcript-rebuilt; emitter-appended) ---
"""Pipeline reference for scband-minkowski-resblock-15479062134889 (READ-ONLY COPY).

The authoritative reference and input builder live on the scoring server;
editing this copy changes nothing except your own understanding.
"""

import jax, jax.numpy as jnp
import numpy as np

N = 10000      # active sparse voxels (coordinates)
E = 160000     # kernel-map pairs (in_idx, out_idx, kernel_offset)
NIN = 128
NOUT = 128
CB = 32        # bottleneck channels = nout // 4
K = 27         # 3x3x3 kernel offsets (is_3d=True)


def setup_inputs(seed: int = 0) -> dict:
    key = jax.random.key(seed)
    ks = jax.random.split(key, 8)
    x = jax.random.normal(ks[0], (N, NIN), dtype=jnp.float32)
    edge_src = jax.random.randint(ks[1], (E,), 0, N, dtype=jnp.int32)
    edge_dst = jax.random.randint(ks[2], (E,), 0, N, dtype=jnp.int32)
    edge_kidx = jax.random.randint(ks[3], (E,), 0, K, dtype=jnp.int32)
    # block1: 1x1 conv nin->cb (dense matmul on sparse features)
    W1 = jax.random.normal(ks[4], (NIN, CB), dtype=jnp.float32) / np.sqrt(NIN)
    b1 = jnp.zeros((CB,), dtype=jnp.float32)
    # block2: 3x3x3 sparse conv cb->cb, one weight matrix per kernel offset
    W2 = jax.random.normal(ks[5], (K, CB, CB), dtype=jnp.float32) / np.sqrt(CB * K)
    b2 = jnp.zeros((CB,), dtype=jnp.float32)
    # block3: 1x1 conv cb->nout
    W3 = jax.random.normal(ks[6], (CB, NOUT), dtype=jnp.float32) / np.sqrt(CB)
    b3 = jnp.zeros((NOUT,), dtype=jnp.float32)
    return {"x": x, "W1": W1, "b1": b1, "W2": W2, "b2": b2,
            "W3": W3, "b3": b3, "edge_src": edge_src,
            "edge_dst": edge_dst, "edge_kidx": edge_kidx}


def reference(x, W1, b1, W2, b2, W3, b3, edge_src, edge_dst, edge_kidx):
    # block1: MinkowskiConvolution kernel_size=1 (+bias) + ReLU == per-point matmul
    h = jax.nn.relu(x @ W1 + b1)
    # block2: MinkowskiConvolution kernel_size=3 (+bias) + ReLU.
    # Sparse conv via precomputed kernel map: out[n] = sum_k W2[k]^T * sum_{(s,n) in map_k} h[s]
    # Gather source features, scatter-add into per-kernel-offset accumulators, then batched matmul.
    gathered = jnp.take(h, edge_src, axis=0)                       # [E, CB] gather
    agg = jnp.zeros((K, N, CB), dtype=h.dtype).at[edge_kidx, edge_dst].add(gathered)  # scatter-add
    h2 = jax.nn.relu(jnp.einsum('knc,kco->no', agg, W2) + b2)
    # block3: 1x1 conv, no activation
    h3 = h2 @ W3 + b3
    # nin == nout -> block4 is None; skip connection is identity (same coords, stride=1)
    out = jax.nn.relu((h3 + x) / 2.0)
    return out

if __name__ == "__main__":
    import jax
    _d = setup_inputs()
    print(jax.jit(kernel)(*tuple(_d.values())))

</pallas_src>

<mosaic_0001>
#map = affine_map<(d0, d1) -> (0, 0)>
#map1 = affine_map<(d0, d1) -> (0)>
module attributes {stable_mosaic.version = 14 : i64} {
  func.func @_sc_body(%arg0: i32, %arg1: i32, %arg2: memref<280000x32xf32, #tpu.memory_space<hbm>>, %arg3: memref<163840xi32, #tpu.memory_space<hbm>>, %arg4: memref<163840xi32, #tpu.memory_space<hbm>>, %arg5: memref<1280x128xi32, #tpu.memory_space<hbm>>, %arg6: memref<20480x32xf32, #tpu.memory_space<hbm>>, %arg7: memref<5120xi32, #tpu.memory_space<vmem>>, %arg8: memref<5120xi32, #tpu.memory_space<vmem>>, %arg9: memref<5120xi32, #tpu.memory_space<vmem>>, %arg10: memref<40x128xi32, #tpu.memory_space<vmem>>, %arg11: memref<8x128x32xf32, #tpu.memory_space<vmem>>, %arg12: memref<64x32xf32, #tpu.memory_space<vmem>>, %arg13: memref<10240x32xf32, #tpu.memory_space<vmem_shared>>, %arg14: memref<!tpu.dma_semaphore, #tpu.memory_space<semaphore_mem>>, %arg15: memref<!tpu.dma_semaphore, #tpu.memory_space<semaphore_mem>>, %arg16: memref<!tpu.dma_semaphore, #tpu.memory_space<semaphore_mem>>, %arg17: memref<!tpu.dma_semaphore, #tpu.memory_space<semaphore_mem>>, %arg18: memref<!tpu.dma_semaphore, #tpu.memory_space<semaphore_mem>>, %arg19: memref<!tpu.dma_semaphore, #tpu.memory_space<semaphore_mem>>, %arg20: memref<!tpu.dma_semaphore, #tpu.memory_space<semaphore_mem>>, %arg21: memref<!tpu.dma_semaphore, #tpu.memory_space<semaphore_mem>>, %arg22: memref<!tpu.dma_semaphore, #tpu.memory_space<semaphore_mem>>) attributes {dimension_semantics = [#tpu.dimension_semantics<core_parallel>, #tpu.dimension_semantics<subcore_parallel>], iteration_bounds = array<i64: 2, 16>, scalar_prefetch = 0 : i64, scratch_operands = 16 : i64, tpu.core_type = #tpu.core_type<sc_vector_subcore>, window_params = [{transform_indices = #map}, {transform_indices = #map1}, {transform_indices = #map1}, {transform_indices = #map}, {transform_indices = #map}]} {
    %mul3A = arith.constant 16 : i32
    %mul3A_0 = arith.muli %arg0, %mul3A : i32
    %add3A = arith.addi %mul3A_0, %arg1 : i32
    %mul3A_1 = arith.constant 5120 : i32
    %mul3A_2 = arith.muli %add3A, %mul3A_1 : i32
    %dma_start3A = tpu.memref_slice %arg3[%mul3A_2] : memref<163840xi32, #tpu.memory_space<hbm>> -> memref<5120xi32, #tpu.memory_space<hbm>>
    %dma_start3A_3 = tpu.memref_slice %arg3[%mul3A_2] : memref<163840xi32, #tpu.memory_space<hbm>> -> memref<5120xi32, #tpu.memory_space<hbm>>
    tpu.enqueue_dma source(%dma_start3A_3 : memref<5120xi32, #tpu.memory_space<hbm>>) target(%arg7 : memref<5120xi32, #tpu.memory_space<vmem>>) target_semaphore(%arg22 : memref<!tpu.dma_semaphore, #tpu.memory_space<semaphore_mem>>)
    %dma_start3A_4 = tpu.memref_slice %arg4[%mul3A_2] : memref<163840xi32, #tpu.memory_space<hbm>> -> memref<5120xi32, #tpu.memory_space<hbm>>
    %dma_start3A_5 = tpu.memref_slice %arg4[%mul3A_2] : memref<163840xi32, #tpu.memory_space<hbm>> -> memref<5120xi32, #tpu.memory_space<hbm>>
    tpu.enqueue_dma source(%dma_start3A_5 : memref<5120xi32, #tpu.memory_space<hbm>>) target(%arg8 : memref<5120xi32, #tpu.memory_space<vmem>>) target_semaphore(%arg22 : memref<!tpu.dma_semaphore, #tpu.memory_space<semaphore_mem>>)
    %mul3A_6 = arith.constant 40 : i32
    %mul3A_7 = arith.muli %add3A, %mul3A_6 : i32
    %dma_start3A_8 = arith.constant 0 : i32
    %dma_start3A_9 = tpu.memref_slice %arg5[%mul3A_7, %dma_start3A_8] : memref<1280x128xi32, #tpu.memory_space<hbm>> -> memref<40x128xi32, #tpu.memory_space<hbm>>
    %dma_start3A_10 = arith.constant 0 : i32
    %dma_start3A_11 = tpu.memref_slice %arg5[%mul3A_7, %dma_start3A_10] : memref<1280x128xi32, #tpu.memory_space<hbm>> -> memref<40x128xi32, #tpu.memory_space<hbm>>
    tpu.enqueue_dma source(%dma_start3A_11 : memref<40x128xi32, #tpu.memory_space<hbm>>) target(%arg10 : memref<40x128xi32, #tpu.memory_space<vmem>>) target_semaphore(%arg22 : memref<!tpu.dma_semaphore, #tpu.memory_space<semaphore_mem>>)
    %broadcast_in_dim3A = arith.constant 0.000000e+00 : f32
    %broadcast_in_dim3A_12 = vector.broadcast %broadcast_in_dim3A : f32 to vector<16xf32>
    %scan3A = arith.constant 0 : i32
    %scan3A_13 = arith.constant 0 : i32
    %scan3A_14 = arith.constant 64 : i32
    %scan3A_15 = arith.addi %scan3A_13, %scan3A_14 : i32
    %scan3A_16 = arith.constant 1 : i32
    scf.for %scan3A_271 = %scan3A_13 to %scan3A_15 step %scan3A_16  : i32 {
      %swap3A = arith.index_cast %scan3A_271 : i32 to index
      %swap3A_272 = arith.constant 0 : index
      %swap3A_273 = tpu.vector_load %arg12[%swap3A, %swap3A_272] {strides = array<i32>} : memref<64x32xf32, #tpu.memory_space<vmem>>, vector<1x16xf32>,
      %swap3A_274 = vector.shape_cast %swap3A_273 : vector<1x16xf32> to vector<16xf32>
      %swap3A_275 = vector.shape_cast %broadcast_in_dim3A_12 : vector<16xf32> to vector<1x16xf32>
      tpu.vector_store %arg12[%swap3A, %swap3A_272], %swap3A_275 {strides = array<i32>} : memref<64x32xf32, #tpu.memory_space<vmem>>, vector<1x16xf32>,
      %swap3A_276 = arith.index_cast %scan3A_271 : i32 to index
      %swap3A_277 = arith.constant 16 : index
      %swap3A_278 = tpu.vector_load %arg12[%swap3A_276, %swap3A_277] {strides = array<i32>} : memref<64x32xf32, #tpu.memory_space<vmem>>, vector<1x16xf32>,
      %swap3A_279 = vector.shape_cast %swap3A_278 : vector<1x16xf32> to vector<16xf32>
      %swap3A_280 = vector.shape_cast %broadcast_in_dim3A_12 : vector<16xf32> to vector<1x16xf32>
      tpu.vector_store %arg12[%swap3A_276, %swap3A_277], %swap3A_280 {strides = array<i32>} : memref<64x32xf32, #tpu.memory_space<vmem>>, vector<1x16xf32>,
    }
    %scan3A_17 = arith.constant 64 : i32
    %dma_wait3A = arith.constant 0 : i32
    %dma_wait3A_18 = tpu.memref_slice %arg3[%dma_wait3A] : memref<163840xi32, #tpu.memory_space<hbm>> -> memref<5120xi32, #tpu.memory_space<hbm>>
    %dma_wait3A_19 = arith.constant 0 : i32
    %dma_wait3A_20 = tpu.memref_slice %arg3[%dma_wait3A_19] : memref<163840xi32, #tpu.memory_space<hbm>> -> memref<5120xi32, #tpu.memory_space<hbm>>
    tpu.wait_dma2 semaphore(%arg22 : memref<!tpu.dma_semaphore, #tpu.memory_space<semaphore_mem>>) src(%dma_wait3A_20 : memref<5120xi32, #tpu.memory_space<hbm>>) dst(%arg7 : memref<5120xi32, #tpu.memory_space<vmem>>)
    %dma_wait3A_21 = arith.constant 0 : i32
    %dma_wait3A_22 = tpu.memref_slice %arg3[%dma_wait3A_21] : memref<163840xi32, #tpu.memory_space<hbm>> -> memref<5120xi32, #tpu.memory_space<hbm>>
    %dma_wait3A_23 = arith.constant 0 : i32
    %dma_wait3A_24 = tpu.memref_slice %arg3[%dma_wait3A_23] : memref<163840xi32, #tpu.memory_space<hbm>> -> memref<5120xi32, #tpu.memory_space<hbm>>
    tpu.wait_dma2 semaphore(%arg22 : memref<!tpu.dma_semaphore, #tpu.memory_space<semaphore_mem>>) src(%dma_wait3A_24 : memref<5120xi32, #tpu.memory_space<hbm>>) dst(%arg8 : memref<5120xi32, #tpu.memory_space<vmem>>)
    %dma_wait3A_25 = arith.constant 0 : i32
    %dma_wait3A_26 = arith.constant 0 : i32
    %dma_wait3A_27 = tpu.memref_slice %arg5[%dma_wait3A_25, %dma_wait3A_26] : memref<1280x128xi32, #tpu.memory_space<hbm>> -> memref<40x128xi32, #tpu.memory_space<hbm>>
    %dma_wait3A_28 = arith.constant 0 : i32
    %dma_wait3A_29 = arith.constant 0 : i32
    %dma_wait3A_30 = tpu.memref_slice %arg5[%dma_wait3A_28, %dma_wait3A_29] : memref<1280x128xi32, #tpu.memory_space<hbm>> -> memref<40x128xi32, #tpu.memory_space<hbm>>
    tpu.wait_dma2 semaphore(%arg22 : memref<!tpu.dma_semaphore, #tpu.memory_space<semaphore_mem>>) src(%dma_wait3A_30 : memref<40x128xi32, #tpu.memory_space<hbm>>) dst(%arg10 : memref<40x128xi32, #tpu.memory_space<vmem>>)
    %mul3A_31 = arith.constant 640 : i32
    %mul3A_32 = arith.muli %arg1, %mul3A_31 : i32
    %add3A_33 = arith.constant 0 : i32
    %add3A_34 = arith.addi %mul3A_32, %add3A_33 : i32
    %dma_start3A_35 = arith.constant 0 : i32
    %dma_start3A_36 = tpu.memref_slice %arg13[%add3A_34, %dma_start3A_35] : memref<10240x32xf32, #tpu.memory_space<vmem_shared>> -> memref<64x32xf32, #tpu.memory_space<vmem_shared>>
    %dma_start3A_37 = arith.constant 0 : i32
    %dma_start3A_38 = tpu.memref_slice %arg13[%add3A_34, %dma_start3A_37] : memref<10240x32xf32, #tpu.memory_space<vmem_shared>> -> memref<64x32xf32, #tpu.memory_space<vmem_shared>>
    tpu.enqueue_dma source(%arg12 : memref<64x32xf32, #tpu.memory_space<vmem>>) target(%dma_start3A_38 : memref<64x32xf32, #tpu.memory_space<vmem_shared>>) target_semaphore(%arg22 : memref<!tpu.dma_semaphore, #tpu.memory_space<semaphore_mem>>)
    %mul3A_39 = arith.constant 640 : i32
    %mul3A_40 = arith.muli %arg1, %mul3A_39 : i32
    %add3A_41 = arith.constant 64 : i32
    %add3A_42 = arith.addi %mul3A_40, %add3A_41 : i32
    %dma_start3A_43 = arith.constant 0 : i32
    %dma_start3A_44 = tpu.memref_slice %arg13[%add3A_42, %dma_start3A_43] : memref<10240x32xf32, #tpu.memory_space<vmem_shared>> -> memref<64x32xf32, #tpu.memory_space<vmem_shared>>
    %dma_start3A_45 = arith.constant 0 : i32
    %dma_start3A_46 = tpu.memref_slice %arg13[%add3A_42, %dma_start3A_45] : memref<10240x32xf32, #tpu.memory_space<vmem_shared>> -> memref<64x32xf32, #tpu.memory_space<vmem_shared>>
    tpu.enqueue_dma source(%arg12 : memref<64x32xf32, #tpu.memory_space<vmem>>) target(%dma_start3A_46 : memref<64x32xf32, #tpu.memory_space<vmem_shared>>) target_semaphore(%arg22 : memref<!tpu.dma_semaphore, #tpu.memory_space<semaphore_mem>>)
    %mul3A_47 = arith.constant 640 : i32
    %mul3A_48 = arith.muli %arg1, %mul3A_47 : i32
    %add3A_49 = arith.constant 128 : i32
    %add3A_50 = arith.addi %mul3A_48, %add3A_49 : i32
    %dma_start3A_51 = arith.constant 0 : i32
    %dma_start3A_52 = tpu.memref_slice %arg13[%add3A_50, %dma_start3A_51] : memref<10240x32xf32, #tpu.memory_space<vmem_shared>> -> memref<64x32xf32, #tpu.memory_space<vmem_shared>>
    %dma_start3A_53 = arith.constant 0 : i32
    %dma_start3A_54 = tpu.memref_slice %arg13[%add3A_50, %dma_start3A_53] : memref<10240x32xf32, #tpu.memory_space<vmem_shared>> -> memref<64x32xf32, #tpu.memory_space<vmem_shared>>
    tpu.enqueue_dma source(%arg12 : memref<64x32xf32, #tpu.memory_space<vmem>>) target(%dma_start3A_54 : memref<64x32xf32, #tpu.memory_space<vmem_shared>>) target_semaphore(%arg22 : memref<!tpu.dma_semaphore, #tpu.memory_space<semaphore_mem>>)
    %mul3A_55 = arith.constant 640 : i32
    %mul3A_56 = arith.muli %arg1, %mul3A_55 : i32
    %add3A_57 = arith.constant 192 : i32
    %add3A_58 = arith.addi %mul3A_56, %add3A_57 : i32
    %dma_start3A_59 = arith.constant 0 : i32
    %dma_start3A_60 = tpu.memref_slice %arg13[%add3A_58, %dma_start3A_59] : memref<10240x32xf32, #tpu.memory_space<vmem_shared>> -> memref<64x32xf32, #tpu.memory_space<vmem_shared>>
    %dma_start3A_61 = arith.constant 0 : i32
    %dma_start3A_62 = tpu.memref_slice %arg13[%add3A_58, %dma_start3A_61] : memref<10240x32xf32, #tpu.memory_space<vmem_shared>> -> memref<64x32xf32, #tpu.memory_space<vmem_shared>>
    tpu.enqueue_dma source(%arg12 : memref<64x32xf32, #tpu.memory_space<vmem>>) target(%dma_start3A_62 : memref<64x32xf32, #tpu.memory_space<vmem_shared>>) target_semaphore(%arg22 : memref<!tpu.dma_semaphore, #tpu.memory_space<semaphore_mem>>)
    %mul3A_63 = arith.constant 640 : i32
    %mul3A_64 = arith.muli %arg1, %mul3A_63 : i32
    %add3A_65 = arith.constant 256 : i32
    %add3A_66 = arith.addi %mul3A_64, %add3A_65 : i32
    %dma_start3A_67 = arith.constant 0 : i32
    %dma_start3A_68 = tpu.memref_slice %arg13[%add3A_66, %dma_start3A_67] : memref<10240x32xf32, #tpu.memory_space<vmem_shared>> -> memref<64x32xf32, #tpu.memory_space<vmem_shared>>
    %dma_start3A_69 = arith.constant 0 : i32
    %dma_start3A_70 = tpu.memref_slice %arg13[%add3A_66, %dma_start3A_69] : memref<10240x32xf32, #tpu.memory_space<vmem_shared>> -> memref<64x32xf32, #tpu.memory_space<vmem_shared>>
    tpu.enqueue_dma source(%arg12 : memref<64x32xf32, #tpu.memory_space<vmem>>) target(%dma_start3A_70 : memref<64x32xf32, #tpu.memory_space<vmem_shared>>) target_semaphore(%arg22 : memref<!tpu.dma_semaphore, #tpu.memory_space<semaphore_mem>>)
    %mul3A_71 = arith.constant 640 : i32
    %mul3A_72 = arith.muli %arg1, %mul3A_71 : i32
    %add3A_73 = arith.constant 320 : i32
    %add3A_74 = arith.addi %mul3A_72, %add3A_73 : i32
    %dma_start3A_75 = arith.constant 0 : i32
    %dma_start3A_76 = tpu.memref_slice %arg13[%add3A_74, %dma_start3A_75] : memref<10240x32xf32, #tpu.memory_space<vmem_shared>> -> memref<64x32xf32, #tpu.memory_space<vmem_shared>>
    %dma_start3A_77 = arith.constant 0 : i32
    %dma_start3A_78 = tpu.memref_slice %arg13[%add3A_74, %dma_start3A_77] : memref<10240x32xf32, #tpu.memory_space<vmem_shared>> -> memref<64x32xf32, #tpu.memory_space<vmem_shared>>
    tpu.enqueue_dma source(%arg12 : memref<64x32xf32, #tpu.memory_space<vmem>>) target(%dma_start3A_78 : memref<64x32xf32, #tpu.memory_space<vmem_shared>>) target_semaphore(%arg22 : memref<!tpu.dma_semaphore, #tpu.memory_space<semaphore_mem>>)
    %mul3A_79 = arith.constant 640 : i32
    %mul3A_80 = arith.muli %arg1, %mul3A_79 : i32
    %add3A_81 = arith.constant 384 : i32
    %add3A_82 = arith.addi %mul3A_80, %add3A_81 : i32
    %dma_start3A_83 = arith.constant 0 : i32
    %dma_start3A_84 = tpu.memref_slice %arg13[%add3A_82, %dma_start3A_83] : memref<10240x32xf32, #tpu.memory_space<vmem_shared>> -> memref<64x32xf32, #tpu.memory_space<vmem_shared>>
    %dma_start3A_85 = arith.constant 0 : i32
    %dma_start3A_86 = tpu.memref_slice %arg13[%add3A_82, %dma_start3A_85] : memref<10240x32xf32, #tpu.memory_space<vmem_shared>> -> memref<64x32xf32, #tpu.memory_space<vmem_shared>>
    tpu.enqueue_dma source(%arg12 : memref<64x32xf32, #tpu.memory_space<vmem>>) target(%dma_start3A_86 : memref<64x32xf32, #tpu.memory_space<vmem_shared>>) target_semaphore(%arg22 : memref<!tpu.dma_semaphore, #tpu.memory_space<semaphore_mem>>)
    %mul3A_87 = arith.constant 640 : i32
    %mul3A_88 = arith.muli %arg1, %mul3A_87 : i32
    %add3A_89 = arith.constant 448 : i32
    %add3A_90 = arith.addi %mul3A_88, %add3A_89 : i32
    %dma_start3A_91 = arith.constant 0 : i32
    %dma_start3A_92 = tpu.memref_slice %arg13[%add3A_90, %dma_start3A_91] : memref<10240x32xf32, #tpu.memory_space<vmem_shared>> -> memref<64x32xf32, #tpu.memory_space<vmem_shared>>
    %dma_start3A_93 = arith.constant 0 : i32
    %dma_start3A_94 = tpu.memref_slice %arg13[%add3A_90, %dma_start3A_93] : memref<10240x32xf32, #tpu.memory_space<vmem_shared>> -> memref<64x32xf32, #tpu.memory_space<vmem_shared>>
    tpu.enqueue_dma source(%arg12 : memref<64x32xf32, #tpu.memory_space<vmem>>) target(%dma_start3A_94 : memref<64x32xf32, #tpu.memory_space<vmem_shared>>) target_semaphore(%arg22 : memref<!tpu.dma_semaphore, #tpu.memory_space<semaphore_mem>>)
    %mul3A_95 = arith.constant 640 : i32
    %mul3A_96 = arith.muli %arg1, %mul3A_95 : i32
    %add3A_97 = arith.constant 512 : i32
    %add3A_98 = arith.addi %mul3A_96, %add3A_97 : i32
    %dma_start3A_99 = arith.constant 0 : i32
    %dma_start3A_100 = tpu.memref_slice %arg13[%add3A_98, %dma_start3A_99] : memref<10240x32xf32, #tpu.memory_space<vmem_shared>> -> memref<64x32xf32, #tpu.memory_space<vmem_shared>>
    %dma_start3A_101 = arith.constant 0 : i32
    %dma_start3A_102 = tpu.memref_slice %arg13[%add3A_98, %dma_start3A_101] : memref<10240x32xf32, #tpu.memory_space<vmem_shared>> -> memref<64x32xf32, #tpu.memory_space<vmem_shared>>
    tpu.enqueue_dma source(%arg12 : memref<64x32xf32, #tpu.memory_space<vmem>>) target(%dma_start3A_102 : memref<64x32xf32, #tpu.memory_space<vmem_shared>>) target_semaphore(%arg22 : memref<!tpu.dma_semaphore, #tpu.memory_space<semaphore_mem>>)
    %mul3A_103 = arith.constant 640 : i32
    %mul3A_104 = arith.muli %arg1, %mul3A_103 : i32
    %add3A_105 = arith.constant 576 : i32
    %add3A_106 = arith.addi %mul3A_104, %add3A_105 : i32
    %dma_start3A_107 = arith.constant 0 : i32
    %dma_start3A_108 = tpu.memref_slice %arg13[%add3A_106, %dma_start3A_107] : memref<10240x32xf32, #tpu.memory_space<vmem_shared>> -> memref<64x32xf32, #tpu.memory_space<vmem_shared>>
    %dma_start3A_109 = arith.constant 0 : i32
    %dma_start3A_110 = tpu.memref_slice %arg13[%add3A_106, %dma_start3A_109] : memref<10240x32xf32, #tpu.memory_space<vmem_shared>> -> memref<64x32xf32, #tpu.memory_space<vmem_shared>>
    tpu.enqueue_dma source(%arg12 : memref<64x32xf32, #tpu.memory_space<vmem>>) target(%dma_start3A_110 : memref<64x32xf32, #tpu.memory_space<vmem_shared>>) target_semaphore(%arg22 : memref<!tpu.dma_semaphore, #tpu.memory_space<semaphore_mem>>)
    %scan3A_111 = arith.constant 0 : i32
    %scan3A_112 = arith.constant 0 : i32
    %scan3A_113 = arith.constant 320 : i32
    %scan3A_114 = arith.addi %scan3A_112, %scan3A_113 : i32
    %scan3A_115 = arith.constant 1 : i32
    scf.for %scan3A_271 = %scan3A_112 to %scan3A_114 step %scan3A_115  : i32 {
      %mul3A_272 = arith.constant 16 : i32
      %mul3A_273 = arith.muli %scan3A_271, %mul3A_272 : i32
      %get3A = arith.index_cast %mul3A_273 : i32 to index
      %get3A_274 = tpu.vector_load %arg8[%get3A] {strides = array<i32>} : memref<5120xi32, #tpu.memory_space<vmem>>, vector<16xi32>,
      %get3A_275 = vector.shape_cast %get3A_274 : vector<16xi32> to vector<16xi32>
      %get3A_276 = arith.index_cast %mul3A_273 : i32 to index
      %get3A_277 = tpu.vector_load %arg7[%get3A_276] {strides = array<i32>} : memref<5120xi32, #tpu.memory_space<vmem>>, vector<16xi32>,
      %get3A_278 = vector.shape_cast %get3A_277 : vector<16xi32> to vector<16xi32>
      %shift_right_logical3A = arith.constant 2 : i32
      %shift_right_logical3A_279 = vector.broadcast %shift_right_logical3A : i32 to vector<16xi32>
      %shift_right_logical3A_280 = arith.shrui %get3A_275, %shift_right_logical3A_279 : vector<16xi32>
      %mul3A_281 = arith.constant 40000 : i32
      %mul3A_282 = vector.broadcast %mul3A_281 : i32 to vector<16xi32>
      %mul3A_283 = arith.muli %shift_right_logical3A_280, %mul3A_282 : vector<16xi32>
      %mul3A_284 = arith.constant 4 : i32
      %mul3A_285 = vector.broadcast %mul3A_284 : i32 to vector<16xi32>
      %mul3A_286 = arith.muli %get3A_278, %mul3A_285 : vector<16xi32>
      %add3A_287 = arith.addi %mul3A_283, %mul3A_286 : vector<16xi32>
      %and3A = arith.constant 3 : i32
      %and3A_288 = vector.broadcast %and3A : i32 to vector<16xi32>
      %and3A_289 = arith.andi %get3A_275, %and3A_288 : vector<16xi32>
      %add3A_290 = arith.addi %add3A_287, %and3A_289 : vector<16xi32>
      %swap3A = arith.index_cast %mul3A_273 : i32 to index
      %swap3A_291 = tpu.vector_load %arg9[%swap3A] {strides = array<i32>} : memref<5120xi32, #tpu.memory_space<vmem>>, vector<16xi32>,
      %swap3A_292 = vector.shape_cast %swap3A_291 : vector<16xi32> to vector<16xi32>
      %swap3A_293 = vector.shape_cast %add3A_290 : vector<16xi32> to vector<16xi32>
      tpu.vector_store %arg9[%swap3A], %swap3A_293 {strides = array<i32>} : memref<5120xi32, #tpu.memory_space<vmem>>, vector<16xi32>,
    }
    %scan3A_116 = arith.constant 320 : i32
    %dma_start3A_117 = arith.constant 0 : i32
    %dma_start3A_118 = arith.constant 0 : i32
    %dma_start3A_119 = arith.constant 0 : i32
    %dma_start3A_120 = tpu.memref_slice %arg11[%dma_start3A_117, %dma_start3A_118, %dma_start3A_119] : memref<8x128x32xf32, #tpu.memory_space<vmem>> -> memref<1x128x32xf32, #tpu.memory_space<vmem>>
    %dma_start3A_121 = tpu.memref_squeeze %dma_start3A_120 : memref<1x128x32xf32, #tpu.memory_space<vmem>> -> memref<128x32xf32, #tpu.memory_space<vmem>>
    %dma_start3A_122 = arith.constant 0 : i32
    %dma_start3A_123 = tpu.memref_slice %arg9[%dma_start3A_122] : memref<5120xi32, #tpu.memory_space<vmem>> -> memref<128xi32, #tpu.memory_space<vmem>>
    %dma_start3A_124 = arith.constant 0 : i32
    %dma_start3A_125 = arith.constant 0 : i32
    %dma_start3A_126 = tpu.memref_slice %arg2[%dma_start3A_124, %dma_start3A_125] : memref<280000x32xf32, #tpu.memory_space<hbm>> -> memref<280000x32xf32, #tpu.memory_space<hbm>>
    tpu.enqueue_indirect_dma source(%dma_start3A_126 : memref<280000x32xf32, #tpu.memory_space<hbm>>) target(%dma_start3A_121 : memref<128x32xf32, #tpu.memory_space<vmem>>) offsets(%dma_start3A_123 : memref<128xi32, #tpu.memory_space<vmem>>) semaphore(%arg14 : memref<!tpu.dma_semaphore, #tpu.memory_space<semaphore_mem>>)
    %dma_start3A_127 = arith.constant 1 : i32
    %dma_start3A_128 = arith.constant 0 : i32
    %dma_start3A_129 = arith.constant 0 : i32
    %dma_start3A_130 = tpu.memref_slice %arg11[%dma_start3A_127, %dma_start3A_128, %dma_start3A_129] : memref<8x128x32xf32, #tpu.memory_space<vmem>> -> memref<1x128x32xf32, #tpu.memory_space<vmem>>
    %dma_start3A_131 = tpu.memref_squeeze %dma_start3A_130 : memref<1x128x32xf32, #tpu.memory_space<vmem>> -> memref<128x32xf32, #tpu.memory_space<vmem>>
    %dma_start3A_132 = arith.constant 128 : i32
    %dma_start3A_133 = tpu.memref_slice %arg9[%dma_start3A_132] : memref<5120xi32, #tpu.memory_space<vmem>> -> memref<128xi32, #tpu.memory_space<vmem>>
    %dma_start3A_134 = arith.constant 0 : i32
    %dma_start3A_135 = arith.constant 0 : i32
    %dma_start3A_136 = tpu.memref_slice %arg2[%dma_start3A_134, %dma_start3A_135] : memref<280000x32xf32, #tpu.memory_space<hbm>> -> memref<280000x32xf32, #tpu.memory_space<hbm>>
    tpu.enqueue_indirect_dma source(%dma_start3A_136 : memref<280000x32xf32, #tpu.memory_space<hbm>>) target(%dma_start3A_131 : memref<128x32xf32, #tpu.memory_space<vmem>>) offsets(%dma_start3A_133 : memref<128xi32, #tpu.memory_space<vmem>>) semaphore(%arg15 : memref<!tpu.dma_semaphore, #tpu.memory_space<semaphore_mem>>)
    %dma_start3A_137 = arith.constant 2 : i32
    %dma_start3A_138 = arith.constant 0 : i32
    %dma_start3A_139 = arith.constant 0 : i32
    %dma_start3A_140 = tpu.memref_slice %arg11[%dma_start3A_137, %dma_start3A_138, %dma_start3A_139] : memref<8x128x32xf32, #tpu.memory_space<vmem>> -> memref<1x128x32xf32, #tpu.memory_space<vmem>>
    %dma_start3A_141 = tpu.memref_squeeze %dma_start3A_140 : memref<1x128x32xf32, #tpu.memory_space<vmem>> -> memref<128x32xf32, #tpu.memory_space<vmem>>
    %dma_start3A_142 = arith.constant 256 : i32
    %dma_start3A_143 = tpu.memref_slice %arg9[%dma_start3A_142] : memref<5120xi32, #tpu.memory_space<vmem>> -> memref<128xi32, #tpu.memory_space<vmem>>
    %dma_start3A_144 = arith.constant 0 : i32
    %dma_start3A_145 = arith.constant 0 : i32
    %dma_start3A_146 = tpu.memref_slice %arg2[%dma_start3A_144, %dma_start3A_145] : memref<280000x32xf32, #tpu.memory_space<hbm>> -> memref<280000x32xf32, #tpu.memory_space<hbm>>
    tpu.enqueue_indirect_dma source(%dma_start3A_146 : memref<280000x32xf32, #tpu.memory_space<hbm>>) target(%dma_start3A_141 : memref<128x32xf32, #tpu.memory_space<vmem>>) offsets(%dma_start3A_143 : memref<128xi32, #tpu.memory_space<vmem>>) semaphore(%arg16 : memref<!tpu.dma_semaphore, #tpu.memory_space<semaphore_mem>>)
    %dma_start3A_147 = arith.constant 3 : i32
    %dma_start3A_148 = arith.constant 0 : i32
    %dma_start3A_149 = arith.constant 0 : i32
    %dma_start3A_150 = tpu.memref_slice %arg11[%dma_start3A_147, %dma_start3A_148, %dma_start3A_149] : memref<8x128x32xf32, #tpu.memory_space<vmem>> -> memref<1x128x32xf32, #tpu.memory_space<vmem>>
    %dma_start3A_151 = tpu.memref_squeeze %dma_start3A_150 : memref<1x128x32xf32, #tpu.memory_space<vmem>> -> memref<128x32xf32, #tpu.memory_space<vmem>>
    %dma_start3A_152 = arith.constant 384 : i32
    %dma_start3A_153 = tpu.memref_slice %arg9[%dma_start3A_152] : memref<5120xi32, #tpu.memory_space<vmem>> -> memref<128xi32, #tpu.memory_space<vmem>>
    %dma_start3A_154 = arith.constant 0 : i32
    %dma_start3A_155 = arith.constant 0 : i32
    %dma_start3A_156 = tpu.memref_slice %arg2[%dma_start3A_154, %dma_start3A_155] : memref<280000x32xf32, #tpu.memory_space<hbm>> -> memref<280000x32xf32, #tpu.memory_space<hbm>>
    tpu.enqueue_indirect_dma source(%dma_start3A_156 : memref<280000x32xf32, #tpu.memory_space<hbm>>) target(%dma_start3A_151 : memref<128x32xf32, #tpu.memory_space<vmem>>) offsets(%dma_start3A_153 : memref<128xi32, #tpu.memory_space<vmem>>) semaphore(%arg17 : memref<!tpu.dma_semaphore, #tpu.memory_space<semaphore_mem>>)
    %dma_start3A_157 = arith.constant 4 : i32
    %dma_start3A_158 = arith.constant 0 : i32
    %dma_start3A_159 = arith.constant 0 : i32
    %dma_start3A_160 = tpu.memref_slice %arg11[%dma_start3A_157, %dma_start3A_158, %dma_start3A_159] : memref<8x128x32xf32, #tpu.memory_space<vmem>> -> memref<1x128x32xf32, #tpu.memory_space<vmem>>
    %dma_start3A_161 = tpu.memref_squeeze %dma_start3A_160 : memref<1x128x32xf32, #tpu.memory_space<vmem>> -> memref<128x32xf32, #tpu.memory_space<vmem>>
    %dma_start3A_162 = arith.constant 512 : i32
    %dma_start3A_163 = tpu.memref_slice %arg9[%dma_start3A_162] : memref<5120xi32, #tpu.memory_space<vmem>> -> memref<128xi32, #tpu.memory_space<vmem>>
    %dma_start3A_164 = arith.constant 0 : i32
    %dma_start3A_165 = arith.constant 0 : i32
    %dma_start3A_166 = tpu.memref_slice %arg2[%dma_start3A_164, %dma_start3A_165] : memref<280000x32xf32, #tpu.memory_space<hbm>> -> memref<280000x32xf32, #tpu.memory_space<hbm>>
    tpu.enqueue_indirect_dma source(%dma_start3A_166 : memref<280000x32xf32, #tpu.memory_space<hbm>>) target(%dma_start3A_161 : memref<128x32xf32, #tpu.memory_space<vmem>>) offsets(%dma_start3A_163 : memref<128xi32, #tpu.memory_space<vmem>>) semaphore(%arg18 : memref<!tpu.dma_semaphore, #tpu.memory_space<semaphore_mem>>)
    %dma_start3A_167 = arith.constant 5 : i32
    %dma_start3A_168 = arith.constant 0 : i32
    %dma_start3A_169 = arith.constant 0 : i32
    %dma_start3A_170 = tpu.memref_slice %arg11[%dma_start3A_167, %dma_start3A_168, %dma_start3A_169] : memref<8x128x32xf32, #tpu.memory_space<vmem>> -> memref<1x128x32xf32, #tpu.memory_space<vmem>>
    %dma_start3A_171 = tpu.memref_squeeze %dma_start3A_170 : memref<1x128x32xf32, #tpu.memory_space<vmem>> -> memref<128x32xf32, #tpu.memory_space<vmem>>
    %dma_start3A_172 = arith.constant 640 : i32
    %dma_start3A_173 = tpu.memref_slice %arg9[%dma_start3A_172] : memref<5120xi32, #tpu.memory_space<vmem>> -> memref<128xi32, #tpu.memory_space<vmem>>
    %dma_start3A_174 = arith.constant 0 : i32
    %dma_start3A_175 = arith.constant 0 : i32
    %dma_start3A_176 = tpu.memref_slice %arg2[%dma_start3A_174, %dma_start3A_175] : memref<280000x32xf32, #tpu.memory_space<hbm>> -> memref<280000x32xf32, #tpu.memory_space<hbm>>
    tpu.enqueue_indirect_dma source(%dma_start3A_176 : memref<280000x32xf32, #tpu.memory_space<hbm>>) target(%dma_start3A_171 : memref<128x32xf32, #tpu.memory_space<vmem>>) offsets(%dma_start3A_173 : memref<128xi32, #tpu.memory_space<vmem>>) semaphore(%arg19 : memref<!tpu.dma_semaphore, #tpu.memory_space<semaphore_mem>>)
    %dma_start3A_177 = arith.constant 6 : i32
    %dma_start3A_178 = arith.constant 0 : i32
    %dma_start3A_179 = arith.constant 0 : i32
    %dma_start3A_180 = tpu.memref_slice %arg11[%dma_start3A_177, %dma_start3A_178, %dma_start3A_179] : memref<8x128x32xf32, #tpu.memory_space<vmem>> -> memref<1x128x32xf32, #tpu.memory_space<vmem>>
    %dma_start3A_181 = tpu.memref_squeeze %dma_start3A_180 : memref<1x128x32xf32, #tpu.memory_space<vmem>> -> memref<128x32xf32, #tpu.memory_space<vmem>>
    %dma_start3A_182 = arith.constant 768 : i32
    %dma_start3A_183 = tpu.memref_slice %arg9[%dma_start3A_182] : memref<5120xi32, #tpu.memory_space<vmem>> -> memref<128xi32, #tpu.memory_space<vmem>>
    %dma_start3A_184 = arith.constant 0 : i32
    %dma_start3A_185 = arith.constant 0 : i32
    %dma_start3A_186 = tpu.memref_slice %arg2[%dma_start3A_184, %dma_start3A_185] : memref<280000x32xf32, #tpu.memory_space<hbm>> -> memref<280000x32xf32, #tpu.memory_space<hbm>>
    tpu.enqueue_indirect_dma source(%dma_start3A_186 : memref<280000x32xf32, #tpu.memory_space<hbm>>) target(%dma_start3A_181 : memref<128x32xf32, #tpu.memory_space<vmem>>) offsets(%dma_start3A_183 : memref<128xi32, #tpu.memory_space<vmem>>) semaphore(%arg20 : memref<!tpu.dma_semaphore, #tpu.memory_space<semaphore_mem>>)
    %dma_start3A_187 = arith.constant 7 : i32
    %dma_start3A_188 = arith.constant 0 : i32
    %dma_start3A_189 = arith.constant 0 : i32
    %dma_start3A_190 = tpu.memref_slice %arg11[%dma_start3A_187, %dma_start3A_188, %dma_start3A_189] : memref<8x128x32xf32, #tpu.memory_space<vmem>> -> memref<1x128x32xf32, #tpu.memory_space<vmem>>
    %dma_start3A_191 = tpu.memref_squeeze %dma_start3A_190 : memref<1x128x32xf32, #tpu.memory_space<vmem>> -> memref<128x32xf32, #tpu.memory_space<vmem>>
    %dma_start3A_192 = arith.constant 896 : i32
    %dma_start3A_193 = tpu.memref_slice %arg9[%dma_start3A_192] : memref<5120xi32, #tpu.memory_space<vmem>> -> memref<128xi32, #tpu.memory_space<vmem>>
    %dma_start3A_194 = arith.constant 0 : i32
    %dma_start3A_195 = arith.constant 0 : i32
    %dma_start3A_196 = tpu.memref_slice %arg2[%dma_start3A_194, %dma_start3A_195] : memref<280000x32xf32, #tpu.memory_space<hbm>> -> memref<280000x32xf32, #tpu.memory_space<hbm>>
    tpu.enqueue_indirect_dma source(%dma_start3A_196 : memref<280000x32xf32, #tpu.memory_space<hbm>>) target(%dma_start3A_191 : memref<128x32xf32, #tpu.memory_space<vmem>>) offsets(%dma_start3A_193 : memref<128xi32, #tpu.memory_space<vmem>>) semaphore(%arg21 : memref<!tpu.dma_semaphore, #tpu.memory_space<semaphore_mem>>)
    %dma_wait3A_197 = arith.constant 0 : i32
    %dma_wait3A_198 = arith.constant 0 : i32
    %dma_wait3A_199 = tpu.memref_slice %arg2[%dma_wait3A_197, %dma_wait3A_198] : memref<280000x32xf32, #tpu.memory_space<hbm>> -> memref<64x32xf32, #tpu.memory_space<hbm>>
    %dma_wait3A_200 = arith.constant 0 : i32
    %dma_wait3A_201 = arith.constant 0 : i32
    %dma_wait3A_202 = tpu.memref_slice %arg2[%dma_wait3A_200, %dma_wait3A_201] : memref<280000x32xf32, #tpu.memory_space<hbm>> -> memref<64x32xf32, #tpu.memory_space<hbm>>
    tpu.wait_dma2 semaphore(%arg22 : memref<!tpu.dma_semaphore, #tpu.memory_space<semaphore_mem>>) src(%dma_wait3A_202 : memref<64x32xf32, #tpu.memory_space<hbm>>) dst(%arg12 : memref<64x32xf32, #tpu.memory_space<vmem>>)
    %dma_wait3A_203 = arith.constant 0 : i32
    %dma_wait3A_204 = arith.constant 0 : i32
    %dma_wait3A_205 = tpu.memref_slice %arg2[%dma_wait3A_203, %dma_wait3A_204] : memref<280000x32xf32, #tpu.memory_space<hbm>> -> memref<64x32xf32, #tpu.memory_space<hbm>>
    %dma_wait3A_206 = arith.constant 0 : i32
    %dma_wait3A_207 = arith.constant 0 : i32
    %dma_wait3A_208 = tpu.memref_slice %arg2[%dma_wait3A_206, %dma_wait3A_207] : memref<280000x32xf32, #tpu.memory_space<hbm>> -> memref<64x32xf32, #tpu.memory_space<hbm>>
    tpu.wait_dma2 semaphore(%arg22 : memref<!tpu.dma_semaphore, #tpu.memory_space<semaphore_mem>>) src(%dma_wait3A_208 : memref<64x32xf32, #tpu.memory_space<hbm>>) dst(%arg12 : memref<64x32xf32, #tpu.memory_space<vmem>>)
    %dma_wait3A_209 = arith.constant 0 : i32
    %dma_wait3A_210 = arith.constant 0 : i32
    %dma_wait3A_211 = tpu.memref_slice %arg2[%dma_wait3A_209, %dma_wait3A_210] : memref<280000x32xf32, #tpu.memory_space<hbm>> -> memref<64x32xf32, #tpu.memory_space<hbm>>
    %dma_wait3A_212 = arith.constant 0 : i32
    %dma_wait3A_213 = arith.constant 0 : i32
    %dma_wait3A_214 = tpu.memref_slice %arg2[%dma_wait3A_212, %dma_wait3A_213] : memref<280000x32xf32, #tpu.memory_space<hbm>> -> memref<64x32xf32, #tpu.memory_space<hbm>>
    tpu.wait_dma2 semaphore(%arg22 : memref<!tpu.dma_semaphore, #tpu.memory_space<semaphore_mem>>) src(%dma_wait3A_214 : memref<64x32xf32, #tpu.memory_space<hbm>>) dst(%arg12 : memref<64x32xf32, #tpu.memory_space<vmem>>)
    %dma_wait3A_215 = arith.constant 0 : i32
    %dma_wait3A_216 = arith.constant 0 : i32
    %dma_wait3A_217 = tpu.memref_slice %arg2[%dma_wait3A_215, %dma_wait3A_216] : memref<280000x32xf32, #tpu.memory_space<hbm>> -> memref<64x32xf32, #tpu.memory_space<hbm>>
    %dma_wait3A_218 = arith.constant 0 : i32
    %dma_wait3A_219 = arith.constant 0 : i32
    %dma_wait3A_220 = tpu.memref_slice %arg2[%dma_wait3A_218, %dma_wait3A_219] : memref<280000x32xf32, #tpu.memory_space<hbm>> -> memref<64x32xf32, #tpu.memory_space<hbm>>
    tpu.wait_dma2 semaphore(%arg22 : memref<!tpu.dma_semaphore, #tpu.memory_space<semaphore_mem>>) src(%dma_wait3A_220 : memref<64x32xf32, #tpu.memory_space<hbm>>) dst(%arg12 : memref<64x32xf32, #tpu.memory_space<vmem>>)
    %dma_wait3A_221 = arith.constant 0 : i32
    %dma_wait3A_222 = arith.constant 0 : i32
    %dma_wait3A_223 = tpu.memref_slice %arg2[%dma_wait3A_221, %dma_wait3A_222] : memref<280000x32xf32, #tpu.memory_space<hbm>> -> memref<64x32xf32, #tpu.memory_space<hbm>>
    %dma_wait3A_224 = arith.constant 0 : i32
    %dma_wait3A_225 = arith.constant 0 : i32
    %dma_wait3A_226 = tpu.memref_slice %arg2[%dma_wait3A_224, %dma_wait3A_225] : memref<280000x32xf32, #tpu.memory_space<hbm>> -> memref<64x32xf32, #tpu.memory_space<hbm>>
    tpu.wait_dma2 semaphore(%arg22 : memref<!tpu.dma_semaphore, #tpu.memory_space<semaphore_mem>>) src(%dma_wait3A_226 : memref<64x32xf32, #tpu.memory_space<hbm>>) dst(%arg12 : memref<64x32xf32, #tpu.memory_space<vmem>>)
    %dma_wait3A_227 = arith.constant 0 : i32
    %dma_wait3A_228 = arith.constant 0 : i32
    %dma_wait3A_229 = tpu.memref_slice %arg2[%dma_wait3A_227, %dma_wait3A_228] : memref<280000x32xf32, #tpu.memory_space<hbm>> -> memref<64x32xf32, #tpu.memory_space<hbm>>
    %dma_wait3A_230 = arith.constant 0 : i32
    %dma_wait3A_231 = arith.constant 0 : i32
    %dma_wait3A_232 = tpu.memref_slice %arg2[%dma_wait3A_230, %dma_wait3A_231] : memref<280000x32xf32, #tpu.memory_space<hbm>> -> memref<64x32xf32, #tpu.memory_space<hbm>>
    tpu.wait_dma2 semaphore(%arg22 : memref<!tpu.dma_semaphore, #tpu.memory_space<semaphore_mem>>) src(%dma_wait3A_232 : memref<64x32xf32, #tpu.memory_space<hbm>>) dst(%arg12 : memref<64x32xf32, #tpu.memory_space<vmem>>)
    %dma_wait3A_233 = arith.constant 0 : i32
    %dma_wait3A_234 = arith.constant 0 : i32
    %dma_wait3A_235 = tpu.memref_slice %arg2[%dma_wait3A_233, %dma_wait3A_234] : memref<280000x32xf32, #tpu.memory_space<hbm>> -> memref<64x32xf32, #tpu.memory_space<hbm>>
    %dma_wait3A_236 = arith.constant 0 : i32
    %dma_wait3A_237 = arith.constant 0 : i32
    %dma_wait3A_238 = tpu.memref_slice %arg2[%dma_wait3A_236, %dma_wait3A_237] : memref<280000x32xf32, #tpu.memory_space<hbm>> -> memref<64x32xf32, #tpu.memory_space<hbm>>
    tpu.wait_dma2 semaphore(%arg22 : memref<!tpu.dma_semaphore, #tpu.memory_space<semaphore_mem>>) src(%dma_wait3A_238 : memref<64x32xf32, #tpu.memory_space<hbm>>) dst(%arg12 : memref<64x32xf32, #tpu.memory_space<vmem>>)
    %dma_wait3A_239 = arith.constant 0 : i32
    %dma_wait3A_240 = arith.constant 0 : i32
    %dma_wait3A_241 = tpu.memref_slice %arg2[%dma_wait3A_239, %dma_wait3A_240] : memref<280000x32xf32, #tpu.memory_space<hbm>> -> memref<64x32xf32, #tpu.memory_space<hbm>>
    %dma_wait3A_242 = arith.constant 0 : i32
    %dma_wait3A_243 = arith.constant 0 : i32
    %dma_wait3A_244 = tpu.memref_slice %arg2[%dma_wait3A_242, %dma_wait3A_243] : memref<280000x32xf32, #tpu.memory_space<hbm>> -> memref<64x32xf32, #tpu.memory_space<hbm>>
    tpu.wait_dma2 semaphore(%arg22 : memref<!tpu.dma_semaphore, #tpu.memory_space<semaphore_mem>>) src(%dma_wait3A_244 : memref<64x32xf32, #tpu.memory_space<hbm>>) dst(%arg12 : memref<64x32xf32, #tpu.memory_space<vmem>>)
    %dma_wait3A_245 = arith.constant 0 : i32
    %dma_wait3A_246 = arith.constant 0 : i32
    %dma_wait3A_247 = tpu.memref_slice %arg2[%dma_wait3A_245, %dma_wait3A_246] : memref<280000x32xf32, #tpu.memory_space<hbm>> -> memref<64x32xf32, #tpu.memory_space<hbm>>
    %dma_wait3A_248 = arith.constant 0 : i32
    %dma_wait3A_249 = arith.constant 0 : i32
    %dma_wait3A_250 = tpu.memref_slice %arg2[%dma_wait3A_248, %dma_wait3A_249] : memref<280000x32xf32, #tpu.memory_space<hbm>> -> memref<64x32xf32, #tpu.memory_space<hbm>>
    tpu.wait_dma2 semaphore(%arg22 : memref<!tpu.dma_semaphore, #tpu.memory_space<semaphore_mem>>) src(%dma_wait3A_250 : memref<64x32xf32, #tpu.memory_space<hbm>>) dst(%arg12 : memref<64x32xf32, #tpu.memory_space<vmem>>)
    %dma_wait3A_251 = arith.constant 0 : i32
    %dma_wait3A_252 = arith.constant 0 : i32
    %dma_wait3A_253 = tpu.memref_slice %arg2[%dma_wait3A_251, %dma_wait3A_252] : memref<280000x32xf32, #tpu.memory_space<hbm>> -> memref<64x32xf32, #tpu.memory_space<hbm>>
    %dma_wait3A_254 = arith.constant 0 : i32
    %dma_wait3A_255 = arith.constant 0 : i32
    %dma_wait3A_256 = tpu.memref_slice %arg2[%dma_wait3A_254, %dma_wait3A_255] : memref<280000x32xf32, #tpu.memory_space<hbm>> -> memref<64x32xf32, #tpu.memory_space<hbm>>
    tpu.wait_dma2 semaphore(%arg22 : memref<!tpu.dma_semaphore, #tpu.memory_space<semaphore_mem>>) src(%dma_wait3A_256 : memref<64x32xf32, #tpu.memory_space<hbm>>) dst(%arg12 : memref<64x32xf32, #tpu.memory_space<vmem>>)
    %barrier3A = arith.constant 0 : index
    tpu.barrier barrier_id(%barrier3A)
    %scan3A_257 = arith.constant 0 : i32
    %scan3A_258 = arith.constant 0 : i32
    %scan3A_259 = arith.constant 5 : i32
    %scan3A_260 = arith.addi %scan3A_258, %scan3A_259 : i32
    %scan3A_261 = arith.constant 1 : i32
    scf.for %scan3A_271 = %scan3A_258 to %scan3A_260 step %scan3A_261  : i32 {
      %mul3A_272 = arith.constant 8 : i32
      %mul3A_273 = arith.muli %scan3A_271, %mul3A_272 : i32
      %dma_wait3A_274 = arith.constant 0 : i32
      %dma_wait3A_275 = arith.constant 0 : i32
      %dma_wait3A_276 = arith.constant 0 : i32
      %dma_wait3A_277 = tpu.memref_slice %arg11[%dma_wait3A_274, %dma_wait3A_275, %dma_wait3A_276] : memref<8x128x32xf32, #tpu.memory_space<vmem>> -> memref<1x128x32xf32, #tpu.memory_space<vmem>>
      %dma_wait3A_278 = tpu.memref_squeeze %dma_wait3A_277 : memref<1x128x32xf32, #tpu.memory_space<vmem>> -> memref<128x32xf32, #tpu.memory_space<vmem>>
      %dma_wait3A_279 = arith.constant 0 : i32
      %dma_wait3A_280 = arith.constant 0 : i32
      %dma_wait3A_281 = tpu.memref_slice %arg2[%dma_wait3A_279, %dma_wait3A_280] : memref<280000x32xf32, #tpu.memory_space<hbm>> -> memref<128x32xf32, #tpu.memory_space<hbm>>
      %dma_wait3A_282 = arith.constant 0 : i32
      %dma_wait3A_283 = arith.constant 0 : i32
      %dma_wait3A_284 = tpu.memref_slice %arg11[%dma_wait3A_274, %dma_wait3A_282, %dma_wait3A_283] : memref<8x128x32xf32, #tpu.memory_space<vmem>> -> memref<1x128x32xf32, #tpu.memory_space<vmem>>
      %dma_wait3A_285 = tpu.memref_squeeze %dma_wait3A_284 : memref<1x128x32xf32, #tpu.memory_space<vmem>> -> memref<128x32xf32, #tpu.memory_space<vmem>>
      %dma_wait3A_286 = arith.constant 0 : i32
      %dma_wait3A_287 = arith.constant 0 : i32
      %dma_wait3A_288 = tpu.memref_slice %arg2[%dma_wait3A_286, %dma_wait3A_287] : memref<280000x32xf32, #tpu.memory_space<hbm>> -> memref<128x32xf32, #tpu.memory_space<hbm>>
      tpu.wait_dma2 semaphore(%arg14 : memref<!tpu.dma_semaphore, #tpu.memory_space<semaphore_mem>>) src(%dma_wait3A_288 : memref<128x32xf32, #tpu.memory_space<hbm>>) dst(%dma_wait3A_285 : memref<128x32xf32, #tpu.memory_space<vmem>>)
      %add3A_289 = arith.constant 0 : i32
      %add3A_290 = arith.addi %mul3A_273, %add3A_289 : i32
      %run_scoped3A = arith.constant 0 : i32
      "tpu.region"() ({
        %run_scoped3A_486 = tpu.sem_alloc : memref<!tpu.dma_semaphore, #tpu.memory_space<semaphore_mem>>
        %dma_start3A_487 = arith.constant 0 : i32
        %dma_start3A_488 = arith.constant 0 : i32
        %dma_start3A_489 = tpu.memref_slice %arg11[%run_scoped3A, %dma_start3A_487, %dma_start3A_488] : memref<8x128x32xf32, #tpu.memory_space<vmem>> -> memref<1x128x32xf32, #tpu.memory_space<vmem>>
        %dma_start3A_490 = tpu.memref_squeeze %dma_start3A_489 : memref<1x128x32xf32, #tpu.memory_space<vmem>> -> memref<128x32xf32, #tpu.memory_space<vmem>>
        %dma_start3A_491 = arith.constant 0 : i32
        %dma_start3A_492 = tpu.memref_slice %arg10[%add3A_290, %dma_start3A_491] : memref<40x128xi32, #tpu.memory_space<vmem>> -> memref<1x128xi32, #tpu.memory_space<vmem>>
        %dma_start3A_493 = tpu.memref_squeeze %dma_start3A_492 : memref<1x128xi32, #tpu.memory_space<vmem>> -> memref<128xi32, #tpu.memory_space<vmem>>
        %dma_start3A_494 = arith.constant 0 : i32
        %dma_start3A_495 = arith.constant 0 : i32
        %dma_start3A_496 = tpu.memref_slice %arg13[%dma_start3A_494, %dma_start3A_495] : memref<10240x32xf32, #tpu.memory_space<vmem_shared>> -> memref<10240x32xf32, #tpu.memory_space<vmem_shared>>
        tpu.enqueue_indirect_dma source(%dma_start3A_490 : memref<128x32xf32, #tpu.memory_space<vmem>>) target(%dma_start3A_496 : memref<10240x32xf32, #tpu.memory_space<vmem_shared>>) offsets(%dma_start3A_493 : memref<128xi32, #tpu.memory_space<vmem>>) semaphore(%run_scoped3A_486 : memref<!tpu.dma_semaphore, #tpu.memory_space<semaphore_mem>>) {add = true}
        %dma_wait3A_497 = arith.constant 0 : i32
        %dma_wait3A_498 = arith.constant 0 : i32
        %dma_wait3A_499 = tpu.memref_slice %arg11[%run_scoped3A, %dma_wait3A_497, %dma_wait3A_498] : memref<8x128x32xf32, #tpu.memory_space<vmem>> -> memref<1x128x32xf32, #tpu.memory_space<vmem>>
        %dma_wait3A_500 = tpu.memref_squeeze %dma_wait3A_499 : memref<1x128x32xf32, #tpu.memory_space<vmem>> -> memref<128x32xf32, #tpu.memory_space<vmem>>
        %dma_wait3A_501 = arith.constant 0 : i32
        %dma_wait3A_502 = tpu.memref_slice %arg10[%add3A_290, %dma_wait3A_501] : memref<40x128xi32, #tpu.memory_space<vmem>> -> memref<1x128xi32, #tpu.memory_space<vmem>>
        %dma_wait3A_503 = tpu.memref_squeeze %dma_wait3A_502 : memref<1x128xi32, #tpu.memory_space<vmem>> -> memref<128xi32, #tpu.memory_space<vmem>>
        %dma_wait3A_504 = arith.constant 0 : i32
        %dma_wait3A_505 = arith.constant 0 : i32
        %dma_wait3A_506 = tpu.memref_slice %arg13[%dma_wait3A_504, %dma_wait3A_505] : memref<10240x32xf32, #tpu.memory_space<vmem_shared>> -> memref<10240x32xf32, #tpu.memory_space<vmem_shared>>
        tpu.wait_indirect_dma semaphore(%run_scoped3A_486 : memref<!tpu.dma_semaphore, #tpu.memory_space<semaphore_mem>>) src(%dma_wait3A_500 : memref<128x32xf32, #tpu.memory_space<vmem>>) dst(%dma_wait3A_506 : memref<10240x32xf32, #tpu.memory_space<vmem_shared>>)
        tpu.yield
      }) : () -> ()
      %add3A_291 = arith.constant 0 : i32
      %add3A_292 = arith.addi %mul3A_273, %add3A_291 : i32
      %add3A_293 = arith.constant 8 : i32
      %add3A_294 = arith.addi %add3A_292, %add3A_293 : i32
      %lt3A = arith.constant 40 : i32
      %lt3A_295 = arith.cmpi slt, %add3A_294, %lt3A : i32
      %convert_element_type3A = arith.extui %lt3A_295 : i1 to i32
      %cond3A = arith.constant 0 : i32
      %cond3A_296 = arith.cmpi ne, %convert_element_type3A, %cond3A : i32
      scf.if %cond3A_296 {
        %add3A_486 = arith.constant 0 : i32
        %add3A_487 = arith.addi %mul3A_273, %add3A_486 : i32
        %add3A_488 = arith.constant 8 : i32
        %add3A_489 = arith.addi %add3A_487, %add3A_488 : i32
        %mul3A_490 = arith.constant 128 : i32
        %mul3A_491 = arith.muli %add3A_489, %mul3A_490 : i32
        %dma_start3A_492 = arith.constant 0 : i32
        %dma_start3A_493 = arith.constant 0 : i32
        %dma_start3A_494 = arith.constant 0 : i32
        %dma_start3A_495 = tpu.memref_slice %arg11[%dma_start3A_492, %dma_start3A_493, %dma_start3A_494] : memref<8x128x32xf32, #tpu.memory_space<vmem>> -> memref<1x128x32xf32, #tpu.memory_space<vmem>>
        %dma_start3A_496 = tpu.memref_squeeze %dma_start3A_495 : memref<1x128x32xf32, #tpu.memory_space<vmem>> -> memref<128x32xf32, #tpu.memory_space<vmem>>
        %dma_start3A_497 = tpu.memref_slice %arg9[%mul3A_491] : memref<5120xi32, #tpu.memory_space<vmem>> -> memref<128xi32, #tpu.memory_space<vmem>>
        %dma_start3A_498 = arith.constant 0 : i32
        %dma_start3A_499 = arith.constant 0 : i32
        %dma_start3A_500 = tpu.memref_slice %arg2[%dma_start3A_498, %dma_start3A_499] : memref<280000x32xf32, #tpu.memory_space<hbm>> -> memref<280000x32xf32, #tpu.memory_space<hbm>>
        tpu.enqueue_indirect_dma source(%dma_start3A_500 : memref<280000x32xf32, #tpu.memory_space<hbm>>) target(%dma_start3A_496 : memref<128x32xf32, #tpu.memory_space<vmem>>) offsets(%dma_start3A_497 : memref<128xi32, #tpu.memory_space<vmem>>) semaphore(%arg14 : memref<!tpu.dma_semaphore, #tpu.memory_space<semaphore_mem>>)
      } else {
      }
      %dma_wait3A_297 = arith.constant 1 : i32
      %dma_wait3A_298 = arith.constant 0 : i32
      %dma_wait3A_299 = arith.constant 0 : i32
      %dma_wait3A_300 = tpu.memref_slice %arg11[%dma_wait3A_297, %dma_wait3A_298, %dma_wait3A_299] : memref<8x128x32xf32, #tpu.memory_space<vmem>> -> memref<1x128x32xf32, #tpu.memory_space<vmem>>
      %dma_wait3A_301 = tpu.memref_squeeze %dma_wait3A_300 : memref<1x128x32xf32, #tpu.memory_space<vmem>> -> memref<128x32xf32, #tpu.memory_space<vmem>>
      %dma_wait3A_302 = arith.constant 0 : i32
      %dma_wait3A_303 = arith.constant 0 : i32
      %dma_wait3A_304 = tpu.memref_slice %arg2[%dma_wait3A_302, %dma_wait3A_303] : memref<280000x32xf32, #tpu.memory_space<hbm>> -> memref<128x32xf32, #tpu.memory_space<hbm>>
      %dma_wait3A_305 = arith.constant 0 : i32
      %dma_wait3A_306 = arith.constant 0 : i32
      %dma_wait3A_307 = tpu.memref_slice %arg11[%dma_wait3A_297, %dma_wait3A_305, %dma_wait3A_306] : memref<8x128x32xf32, #tpu.memory_space<vmem>> -> memref<1x128x32xf32, #tpu.memory_space<vmem>>
      %dma_wait3A_308 = tpu.memref_squeeze %dma_wait3A_307 : memref<1x128x32xf32, #tpu.memory_space<vmem>> -> memref<128x32xf32, #tpu.memory_space<vmem>>
      %dma_wait3A_309 = arith.constant 0 : i32
      %dma_wait3A_310 = arith.constant 0 : i32
      %dma_wait3A_311 = tpu.memref_slice %arg2[%dma_wait3A_309, %dma_wait3A_310] : memref<280000x32xf32, #tpu.memory_space<hbm>> -> memref<128x32xf32, #tpu.memory_space<hbm>>
      tpu.wait_dma2 semaphore(%arg15 : memref<!tpu.dma_semaphore, #tpu.memory_space<semaphore_mem>>) src(%dma_wait3A_311 : memref<128x32xf32, #tpu.memory_space<hbm>>) dst(%dma_wait3A_308 : memref<128x32xf32, #tpu.memory_space<vmem>>)
      %add3A_312 = arith.constant 1 : i32
      %add3A_313 = arith.addi %mul3A_273, %add3A_312 : i32
      %run_scoped3A_314 = arith.constant 1 : i32
      "tpu.region"() ({
        %run_scoped3A_486 = tpu.sem_alloc : memref<!tpu.dma_semaphore, #tpu.memory_space<semaphore_mem>>
        %dma_start3A_487 = arith.constant 0 : i32
        %dma_start3A_488 = arith.constant 0 : i32
        %dma_start3A_489 = tpu.memref_slice %arg11[%run_scoped3A_314, %dma_start3A_487, %dma_start3A_488] : memref<8x128x32xf32, #tpu.memory_space<vmem>> -> memref<1x128x32xf32, #tpu.memory_space<vmem>>
        %dma_start3A_490 = tpu.memref_squeeze %dma_start3A_489 : memref<1x128x32xf32, #tpu.memory_space<vmem>> -> memref<128x32xf32, #tpu.memory_space<vmem>>
        %dma_start3A_491 = arith.constant 0 : i32
        %dma_start3A_492 = tpu.memref_slice %arg10[%add3A_313, %dma_start3A_491] : memref<40x128xi32, #tpu.memory_space<vmem>> -> memref<1x128xi32, #tpu.memory_space<vmem>>
        %dma_start3A_493 = tpu.memref_squeeze %dma_start3A_492 : memref<1x128xi32, #tpu.memory_space<vmem>> -> memref<128xi32, #tpu.memory_space<vmem>>
        %dma_start3A_494 = arith.constant 0 : i32
        %dma_start3A_495 = arith.constant 0 : i32
        %dma_start3A_496 = tpu.memref_slice %arg13[%dma_start3A_494, %dma_start3A_495] : memref<10240x32xf32, #tpu.memory_space<vmem_shared>> -> memref<10240x32xf32, #tpu.memory_space<vmem_shared>>
        tpu.enqueue_indirect_dma source(%dma_start3A_490 : memref<128x32xf32, #tpu.memory_space<vmem>>) target(%dma_start3A_496 : memref<10240x32xf32, #tpu.memory_space<vmem_shared>>) offsets(%dma_start3A_493 : memref<128xi32, #tpu.memory_space<vmem>>) semaphore(%run_scoped3A_486 : memref<!tpu.dma_semaphore, #tpu.memory_space<semaphore_mem>>) {add = true}
        %dma_wait3A_497 = arith.constant 0 : i32
        %dma_wait3A_498 = arith.constant 0 : i32
        %dma_wait3A_499 = tpu.memref_slice %arg11[%run_scoped3A_314, %dma_wait3A_497, %dma_wait3A_498] : memref<8x128x32xf32, #tpu.memory_space<vmem>> -> memref<1x128x32xf32, #tpu.memory_space<vmem>>
        %dma_wait3A_500 = tpu.memref_squeeze %dma_wait3A_499 : memref<1x128x32xf32, #tpu.memory_space<vmem>> -> memref<128x32xf32, #tpu.memory_space<vmem>>
        %dma_wait3A_501 = arith.constant 0 : i32
        %dma_wait3A_502 = tpu.memref_slice %arg10[%add3A_313, %dma_wait3A_501] : memref<40x128xi32, #tpu.memory_space<vmem>> -> memref<1x128xi32, #tpu.memory_space<vmem>>
        %dma_wait3A_503 = tpu.memref_squeeze %dma_wait3A_502 : memref<1x128xi32, #tpu.memory_space<vmem>> -> memref<128xi32, #tpu.memory_space<vmem>>
        %dma_wait3A_504 = arith.constant 0 : i32
        %dma_wait3A_505 = arith.constant 0 : i32
        %dma_wait3A_506 = tpu.memref_slice %arg13[%dma_wait3A_504, %dma_wait3A_505] : memref<10240x32xf32, #tpu.memory_space<vmem_shared>> -> memref<10240x32xf32, #tpu.memory_space<vmem_shared>>
        tpu.wait_indirect_dma semaphore(%run_scoped3A_486 : memref<!tpu.dma_semaphore, #tpu.memory_space<semaphore_mem>>) src(%dma_wait3A_500 : memref<128x32xf32, #tpu.memory_space<vmem>>) dst(%dma_wait3A_506 : memref<10240x32xf32, #tpu.memory_space<vmem_shared>>)
        tpu.yield
      }) : () -> ()
      %add3A_315 = arith.constant 1 : i32
      %add3A_316 = arith.addi %mul3A_273, %add3A_315 : i32
      %add3A_317 = arith.constant 8 : i32
      %add3A_318 = arith.addi %add3A_316, %add3A_317 : i32
      %lt3A_319 = arith.constant 40 : i32
      %lt3A_320 = arith.cmpi slt, %add3A_318, %lt3A_319 : i32
      %convert_element_type3A_321 = arith.extui %lt3A_320 : i1 to i32
      %cond3A_322 = arith.constant 0 : i32
      %cond3A_323 = arith.cmpi ne, %convert_element_type3A_321, %cond3A_322 : i32
      scf.if %cond3A_323 {
        %add3A_486 = arith.constant 1 : i32
        %add3A_487 = arith.addi %mul3A_273, %add3A_486 : i32
        %add3A_488 = arith.constant 8 : i32
        %add3A_489 = arith.addi %add3A_487, %add3A_488 : i32
        %mul3A_490 = arith.constant 128 : i32
        %mul3A_491 = arith.muli %add3A_489, %mul3A_490 : i32
        %dma_start3A_492 = arith.constant 1 : i32
        %dma_start3A_493 = arith.constant 0 : i32
        %dma_start3A_494 = arith.constant 0 : i32
        %dma_start3A_495 = tpu.memref_slice %arg11[%dma_start3A_492, %dma_start3A_493, %dma_start3A_494] : memref<8x128x32xf32, #tpu.memory_space<vmem>> -> memref<1x128x32xf32, #tpu.memory_space<vmem>>
        %dma_start3A_496 = tpu.memref_squeeze %dma_start3A_495 : memref<1x128x32xf32, #tpu.memory_space<vmem>> -> memref<128x32xf32, #tpu.memory_space<vmem>>
        %dma_start3A_497 = tpu.memref_slice %arg9[%mul3A_491] : memref<5120xi32, #tpu.memory_space<vmem>> -> memref<128xi32, #tpu.memory_space<vmem>>
        %dma_start3A_498 = arith.constant 0 : i32
        %dma_start3A_499 = arith.constant 0 : i32
        %dma_start3A_500 = tpu.memref_slice %arg2[%dma_start3A_498, %dma_start3A_499] : memref<280000x32xf32, #tpu.memory_space<hbm>> -> memref<280000x32xf32, #tpu.memory_space<hbm>>
        tpu.enqueue_indirect_dma source(%dma_start3A_500 : memref<280000x32xf32, #tpu.memory_space<hbm>>) target(%dma_start3A_496 : memref<128x32xf32, #tpu.memory_space<vmem>>) offsets(%dma_start3A_497 : memref<128xi32, #tpu.memory_space<vmem>>) semaphore(%arg15 : memref<!tpu.dma_semaphore, #tpu.memory_space<semaphore_mem>>)
      } else {
      }
      %dma_wait3A_324 = arith.constant 2 : i32
      %dma_wait3A_325 = arith.constant 0 : i32
      %dma_wait3A_326 = arith.constant 0 : i32
      %dma_wait3A_327 = tpu.memref_slice %arg11[%dma_wait3A_324, %dma_wait3A_325, %dma_wait3A_326] : memref<8x128x32xf32, #tpu.memory_space<vmem>> -> memref<1x128x32xf32, #tpu.memory_space<vmem>>
      %dma_wait3A_328 = tpu.memref_squeeze %dma_wait3A_327 : memref<1x128x32xf32, #tpu.memory_space<vmem>> -> memref<128x32xf32, #tpu.memory_space<vmem>>
      %dma_wait3A_329 = arith.constant 0 : i32
      %dma_wait3A_330 = arith.constant 0 : i32
      %dma_wait3A_331 = tpu.memref_slice %arg2[%dma_wait3A_329, %dma_wait3A_330] : memref<280000x32xf32, #tpu.memory_space<hbm>> -> memref<128x32xf32, #tpu.memory_space<hbm>>
      %dma_wait3A_332 = arith.constant 0 : i32
      %dma_wait3A_333 = arith.constant 0 : i32
      %dma_wait3A_334 = tpu.memref_slice %arg11[%dma_wait3A_324, %dma_wait3A_332, %dma_wait3A_333] : memref<8x128x32xf32, #tpu.memory_space<vmem>> -> memref<1x128x32xf32, #tpu.memory_space<vmem>>
      %dma_wait3A_335 = tpu.memref_squeeze %dma_wait3A_334 : memref<1x128x32xf32, #tpu.memory_space<vmem>> -> memref<128x32xf32, #tpu.memory_space<vmem>>
      %dma_wait3A_336 = arith.constant 0 : i32
      %dma_wait3A_337 = arith.constant 0 : i32
      %dma_wait3A_338 = tpu.memref_slice %arg2[%dma_wait3A_336, %dma_wait3A_337] : memref<280000x32xf32, #tpu.memory_space<hbm>> -> memref<128x32xf32, #tpu.memory_space<hbm>>
      tpu.wait_dma2 semaphore(%arg16 : memref<!tpu.dma_semaphore, #tpu.memory_space<semaphore_mem>>) src(%dma_wait3A_338 : memref<128x32xf32, #tpu.memory_space<hbm>>) dst(%dma_wait3A_335 : memref<128x32xf32, #tpu.memory_space<vmem>>)
      %add3A_339 = arith.constant 2 : i32
      %add3A_340 = arith.addi %mul3A_273, %add3A_339 : i32
      %run_scoped3A_341 = arith.constant 2 : i32
      "tpu.region"() ({
        %run_scoped3A_486 = tpu.sem_alloc : memref<!tpu.dma_semaphore, #tpu.memory_space<semaphore_mem>>
        %dma_start3A_487 = arith.constant 0 : i32
        %dma_start3A_488 = arith.constant 0 : i32
        %dma_start3A_489 = tpu.memref_slice %arg11[%run_scoped3A_341, %dma_start3A_487, %dma_start3A_488] : memref<8x128x32xf32, #tpu.memory_space<vmem>> -> memref<1x128x32xf32, #tpu.memory_space<vmem>>
        %dma_start3A_490 = tpu.memref_squeeze %dma_start3A_489 : memref<1x128x32xf32, #tpu.memory_space<vmem>> -> memref<128x32xf32, #tpu.memory_space<vmem>>
        %dma_start3A_491 = arith.constant 0 : i32
        %dma_start3A_492 = tpu.memref_slice %arg10[%add3A_340, %dma_start3A_491] : memref<40x128xi32, #tpu.memory_space<vmem>> -> memref<1x128xi32, #tpu.memory_space<vmem>>
        %dma_start3A_493 = tpu.memref_squeeze %dma_start3A_492 : memref<1x128xi32, #tpu.memory_space<vmem>> -> memref<128xi32, #tpu.memory_space<vmem>>
        %dma_start3A_494 = arith.constant 0 : i32
        %dma_start3A_495 = arith.constant 0 : i32
        %dma_start3A_496 = tpu.memref_slice %arg13[%dma_start3A_494, %dma_start3A_495] : memref<10240x32xf32, #tpu.memory_space<vmem_shared>> -> memref<10240x32xf32, #tpu.memory_space<vmem_shared>>
        tpu.enqueue_indirect_dma source(%dma_start3A_490 : memref<128x32xf32, #tpu.memory_space<vmem>>) target(%dma_start3A_496 : memref<10240x32xf32, #tpu.memory_space<vmem_shared>>) offsets(%dma_start3A_493 : memref<128xi32, #tpu.memory_space<vmem>>) semaphore(%run_scoped3A_486 : memref<!tpu.dma_semaphore, #tpu.memory_space<semaphore_mem>>) {add = true}
        %dma_wait3A_497 = arith.constant 0 : i32
        %dma_wait3A_498 = arith.constant 0 : i32
        %dma_wait3A_499 = tpu.memref_slice %arg11[%run_scoped3A_341, %dma_wait3A_497, %dma_wait3A_498] : memref<8x128x32xf32, #tpu.memory_space<vmem>> -> memref<1x128x32xf32, #tpu.memory_space<vmem>>
        %dma_wait3A_500 = tpu.memref_squeeze %dma_wait3A_499 : memref<1x128x32xf32, #tpu.memory_space<vmem>> -> memref<128x32xf32, #tpu.memory_space<vmem>>
        %dma_wait3A_501 = arith.constant 0 : i32
        %dma_wait3A_502 = tpu.memref_slice %arg10[%add3A_340, %dma_wait3A_501] : memref<40x128xi32, #tpu.memory_space<vmem>> -> memref<1x128xi32, #tpu.memory_space<vmem>>
        %dma_wait3A_503 = tpu.memref_squeeze %dma_wait3A_502 : memref<1x128xi32, #tpu.memory_space<vmem>> -> memref<128xi32, #tpu.memory_space<vmem>>
        %dma_wait3A_504 = arith.constant 0 : i32
        %dma_wait3A_505 = arith.constant 0 : i32
        %dma_wait3A_506 = tpu.memref_slice %arg13[%dma_wait3A_504, %dma_wait3A_505] : memref<10240x32xf32, #tpu.memory_space<vmem_shared>> -> memref<10240x32xf32, #tpu.memory_space<vmem_shared>>
        tpu.wait_indirect_dma semaphore(%run_scoped3A_486 : memref<!tpu.dma_semaphore, #tpu.memory_space<semaphore_mem>>) src(%dma_wait3A_500 : memref<128x32xf32, #tpu.memory_space<vmem>>) dst(%dma_wait3A_506 : memref<10240x32xf32, #tpu.memory_space<vmem_shared>>)
        tpu.yield
      }) : () -> ()
      %add3A_342 = arith.constant 2 : i32
      %add3A_343 = arith.addi %mul3A_273, %add3A_342 : i32
      %add3A_344 = arith.constant 8 : i32
      %add3A_345 = arith.addi %add3A_343, %add3A_344 : i32
      %lt3A_346 = arith.constant 40 : i32
      %lt3A_347 = arith.cmpi slt, %add3A_345, %lt3A_346 : i32
      %convert_element_type3A_348 = arith.extui %lt3A_347 : i1 to i32
      %cond3A_349 = arith.constant 0 : i32
      %cond3A_350 = arith.cmpi ne, %convert_element_type3A_348, %cond3A_349 : i32
      scf.if %cond3A_350 {
        %add3A_486 = arith.constant 2 : i32
        %add3A_487 = arith.addi %mul3A_273, %add3A_486 : i32
        %add3A_488 = arith.constant 8 : i32
        %add3A_489 = arith.addi %add3A_487, %add3A_488 : i32
        %mul3A_490 = arith.constant 128 : i32
        %mul3A_491 = arith.muli %add3A_489, %mul3A_490 : i32
        %dma_start3A_492 = arith.constant 2 : i32
        %dma_start3A_493 = arith.constant 0 : i32
        %dma_start3A_494 = arith.constant 0 : i32
        %dma_start3A_495 = tpu.memref_slice %arg11[%dma_start3A_492, %dma_start3A_493, %dma_start3A_494] : memref<8x128x32xf32, #tpu.memory_space<vmem>> -> memref<1x128x32xf32, #tpu.memory_space<vmem>>
        %dma_start3A_496 = tpu.memref_squeeze %dma_start3A_495 : memref<1x128x32xf32, #tpu.memory_space<vmem>> -> memref<128x32xf32, #tpu.memory_space<vmem>>
        %dma_start3A_497 = tpu.memref_slice %arg9[%mul3A_491] : memref<5120xi32, #tpu.memory_space<vmem>> -> memref<128xi32, #tpu.memory_space<vmem>>
        %dma_start3A_498 = arith.constant 0 : i32
        %dma_start3A_499 = arith.constant 0 : i32
        %dma_start3A_500 = tpu.memref_slice %arg2[%dma_start3A_498, %dma_start3A_499] : memref<280000x32xf32, #tpu.memory_space<hbm>> -> memref<280000x32xf32, #tpu.memory_space<hbm>>
        tpu.enqueue_indirect_dma source(%dma_start3A_500 : memref<280000x32xf32, #tpu.memory_space<hbm>>) target(%dma_start3A_496 : memref<128x32xf32, #tpu.memory_space<vmem>>) offsets(%dma_start3A_497 : memref<128xi32, #tpu.memory_space<vmem>>) semaphore(%arg16 : memref<!tpu.dma_semaphore, #tpu.memory_space<semaphore_mem>>)
      } else {
      }
      %dma_wait3A_351 = arith.constant 3 : i32
      %dma_wait3A_352 = arith.constant 0 : i32
      %dma_wait3A_353 = arith.constant 0 : i32
      %dma_wait3A_354 = tpu.memref_slice %arg11[%dma_wait3A_351, %dma_wait3A_352, %dma_wait3A_353] : memref<8x128x32xf32, #tpu.memory_space<vmem>> -> memref<1x128x32xf32, #tpu.memory_space<vmem>>
      %dma_wait3A_355 = tpu.memref_squeeze %dma_wait3A_354 : memref<1x128x32xf32, #tpu.memory_space<vmem>> -> memref<128x32xf32, #tpu.memory_space<vmem>>
      %dma_wait3A_356 = arith.constant 0 : i32
      %dma_wait3A_357 = arith.constant 0 : i32
      %dma_wait3A_358 = tpu.memref_slice %arg2[%dma_wait3A_356, %dma_wait3A_357] : memref<280000x32xf32, #tpu.memory_space<hbm>> -> memref<128x32xf32, #tpu.memory_space<hbm>>
      %dma_wait3A_359 = arith.constant 0 : i32
      %dma_wait3A_360 = arith.constant 0 : i32
      %dma_wait3A_361 = tpu.memref_slice %arg11[%dma_wait3A_351, %dma_wait3A_359, %dma_wait3A_360] : memref<8x128x32xf32, #tpu.memory_space<vmem>> -> memref<1x128x32xf32, #tpu.memory_space<vmem>>
      %dma_wait3A_362 = tpu.memref_squeeze %dma_wait3A_361 : memref<1x128x32xf32, #tpu.memory_space<vmem>> -> memref<128x32xf32, #tpu.memory_space<vmem>>
      %dma_wait3A_363 = arith.constant 0 : i32
      %dma_wait3A_364 = arith.constant 0 : i32
      %dma_wait3A_365 = tpu.memref_slice %arg2[%dma_wait3A_363, %dma_wait3A_364] : memref<280000x32xf32, #tpu.memory_space<hbm>> -> memref<128x32xf32, #tpu.memory_space<hbm>>
      tpu.wait_dma2 semaphore(%arg17 : memref<!tpu.dma_semaphore, #tpu.memory_space<semaphore_mem>>) src(%dma_wait3A_365 : memref<128x32xf32, #tpu.memory_space<hbm>>) dst(%dma_wait3A_362 : memref<128x32xf32, #tpu.memory_space<vmem>>)
      %add3A_366 = arith.constant 3 : i32
      %add3A_367 = arith.addi %mul3A_273, %add3A_366 : i32
      %run_scoped3A_368 = arith.constant 3 : i32
      "tpu.region"() ({
        %run_scoped3A_486 = tpu.sem_alloc : memref<!tpu.dma_semaphore, #tpu.memory_space<semaphore_mem>>
        %dma_start3A_487 = arith.constant 0 : i32
        %dma_start3A_488 = arith.constant 0 : i32
        %dma_start3A_489 = tpu.memref_slice %arg11[%run_scoped3A_368, %dma_start3A_487, %dma_start3A_488] : memref<8x128x32xf32, #tpu.memory_space<vmem>> -> memref<1x128x32xf32, #tpu.memory_space<vmem>>
        %dma_start3A_490 = tpu.memref_squeeze %dma_start3A_489 : memref<1x128x32xf32, #tpu.memory_space<vmem>> -> memref<128x32xf32, #tpu.memory_space<vmem>>
        %dma_start3A_491 = arith.constant 0 : i32
        %dma_start3A_492 = tpu.memref_slice %arg10[%add3A_367, %dma_start3A_491] : memref<40x128xi32, #tpu.memory_space<vmem>> -> memref<1x128xi32, #tpu.memory_space<vmem>>
        %dma_start3A_493 = tpu.memref_squeeze %dma_start3A_492 : memref<1x128xi32, #tpu.memory_space<vmem>> -> memref<128xi32, #tpu.memory_space<vmem>>
        %dma_start3A_494 = arith.constant 0 : i32
        %dma_start3A_495 = arith.constant 0 : i32
        %dma_start3A_496 = tpu.memref_slice %arg13[%dma_start3A_494, %dma_start3A_495] : memref<10240x32xf32, #tpu.memory_space<vmem_shared>> -> memref<10240x32xf32, #tpu.memory_space<vmem_shared>>
        tpu.enqueue_indirect_dma source(%dma_start3A_490 : memref<128x32xf32, #tpu.memory_space<vmem>>) target(%dma_start3A_496 : memref<10240x32xf32, #tpu.memory_space<vmem_shared>>) offsets(%dma_start3A_493 : memref<128xi32, #tpu.memory_space<vmem>>) semaphore(%run_scoped3A_486 : memref<!tpu.dma_semaphore, #tpu.memory_space<semaphore_mem>>) {add = true}
        %dma_wait3A_497 = arith.constant 0 : i32
        %dma_wait3A_498 = arith.constant 0 : i32
        %dma_wait3A_499 = tpu.memref_slice %arg11[%run_scoped3A_368, %dma_wait3A_497, %dma_wait3A_498] : memref<8x128x32xf32, #tpu.memory_space<vmem>> -> memref<1x128x32xf32, #tpu.memory_space<vmem>>
        %dma_wait3A_500 = tpu.memref_squeeze %dma_wait3A_499 : memref<1x128x32xf32, #tpu.memory_space<vmem>> -> memref<128x32xf32, #tpu.memory_space<vmem>>
        %dma_wait3A_501 = arith.constant 0 : i32
        %dma_wait3A_502 = tpu.memref_slice %arg10[%add3A_367, %dma_wait3A_501] : memref<40x128xi32, #tpu.memory_space<vmem>> -> memref<1x128xi32, #tpu.memory_space<vmem>>
        %dma_wait3A_503 = tpu.memref_squeeze %dma_wait3A_502 : memref<1x128xi32, #tpu.memory_space<vmem>> -> memref<128xi32, #tpu.memory_space<vmem>>
        %dma_wait3A_504 = arith.constant 0 : i32
        %dma_wait3A_505 = arith.constant 0 : i32
        %dma_wait3A_506 = tpu.memref_slice %arg13[%dma_wait3A_504, %dma_wait3A_505] : memref<10240x32xf32, #tpu.memory_space<vmem_shared>> -> memref<10240x32xf32, #tpu.memory_space<vmem_shared>>
        tpu.wait_indirect_dma semaphore(%run_scoped3A_486 : memref<!tpu.dma_semaphore, #tpu.memory_space<semaphore_mem>>) src(%dma_wait3A_500 : memref<128x32xf32, #tpu.memory_space<vmem>>) dst(%dma_wait3A_506 : memref<10240x32xf32, #tpu.memory_space<vmem_shared>>)
        tpu.yield
      }) : () -> ()
      %add3A_369 = arith.constant 3 : i32
      %add3A_370 = arith.addi %mul3A_273, %add3A_369 : i32
      %add3A_371 = arith.constant 8 : i32
      %add3A_372 = arith.addi %add3A_370, %add3A_371 : i32
      %lt3A_373 = arith.constant 40 : i32
      %lt3A_374 = arith.cmpi slt, %add3A_372, %lt3A_373 : i32
      %convert_element_type3A_375 = arith.extui %lt3A_374 : i1 to i32
      %cond3A_376 = arith.constant 0 : i32
      %cond3A_377 = arith.cmpi ne, %convert_element_type3A_375, %cond3A_376 : i32
      scf.if %cond3A_377 {
        %add3A_486 = arith.constant 3 : i32
        %add3A_487 = arith.addi %mul3A_273, %add3A_486 : i32
        %add3A_488 = arith.constant 8 : i32
        %add3A_489 = arith.addi %add3A_487, %add3A_488 : i32
        %mul3A_490 = arith.constant 128 : i32
        %mul3A_491 = arith.muli %add3A_489, %mul3A_490 : i32
        %dma_start3A_492 = arith.constant 3 : i32
        %dma_start3A_493 = arith.constant 0 : i32
        %dma_start3A_494 = arith.constant 0 : i32
        %dma_start3A_495 = tpu.memref_slice %arg11[%dma_start3A_492, %dma_start3A_493, %dma_start3A_494] : memref<8x128x32xf32, #tpu.memory_space<vmem>> -> memref<1x128x32xf32, #tpu.memory_space<vmem>>
        %dma_start3A_496 = tpu.memref_squeeze %dma_start3A_495 : memref<1x128x32xf32, #tpu.memory_space<vmem>> -> memref<128x32xf32, #tpu.memory_space<vmem>>
        %dma_start3A_497 = tpu.memref_slice %arg9[%mul3A_491] : memref<5120xi32, #tpu.memory_space<vmem>> -> memref<128xi32, #tpu.memory_space<vmem>>
        %dma_start3A_498 = arith.constant 0 : i32
        %dma_start3A_499 = arith.constant 0 : i32
        %dma_start3A_500 = tpu.memref_slice %arg2[%dma_start3A_498, %dma_start3A_499] : memref<280000x32xf32, #tpu.memory_space<hbm>> -> memref<280000x32xf32, #tpu.memory_space<hbm>>
        tpu.enqueue_indirect_dma source(%dma_start3A_500 : memref<280000x32xf32, #tpu.memory_space<hbm>>) target(%dma_start3A_496 : memref<128x32xf32, #tpu.memory_space<vmem>>) offsets(%dma_start3A_497 : memref<128xi32, #tpu.memory_space<vmem>>) semaphore(%arg17 : memref<!tpu.dma_semaphore, #tpu.memory_space<semaphore_mem>>)
      } else {
      }
      %dma_wait3A_378 = arith.constant 4 : i32
      %dma_wait3A_379 = arith.constant 0 : i32
      %dma_wait3A_380 = arith.constant 0 : i32
      %dma_wait3A_381 = tpu.memref_slice %arg11[%dma_wait3A_378, %dma_wait3A_379, %dma_wait3A_380] : memref<8x128x32xf32, #tpu.memory_space<vmem>> -> memref<1x128x32xf32, #tpu.memory_space<vmem>>
      %dma_wait3A_382 = tpu.memref_squeeze %dma_wait3A_381 : memref<1x128x32xf32, #tpu.memory_space<vmem>> -> memref<128x32xf32, #tpu.memory_space<vmem>>
      %dma_wait3A_383 = arith.constant 0 : i32
      %dma_wait3A_384 = arith.constant 0 : i32
      %dma_wait3A_385 = tpu.memref_slice %arg2[%dma_wait3A_383, %dma_wait3A_384] : memref<280000x32xf32, #tpu.memory_space<hbm>> -> memref<128x32xf32, #tpu.memory_space<hbm>>
      %dma_wait3A_386 = arith.constant 0 : i32
      %dma_wait3A_387 = arith.constant 0 : i32
      %dma_wait3A_388 = tpu.memref_slice %arg11[%dma_wait3A_378, %dma_wait3A_386, %dma_wait3A_387] : memref<8x128x32xf32, #tpu.memory_space<vmem>> -> memref<1x128x32xf32, #tpu.memory_space<vmem>>
      %dma_wait3A_389 = tpu.memref_squeeze %dma_wait3A_388 : memref<1x128x32xf32, #tpu.memory_space<vmem>> -> memref<128x32xf32, #tpu.memory_space<vmem>>
      %dma_wait3A_390 = arith.constant 0 : i32
      %dma_wait3A_391 = arith.constant 0 : i32
      %dma_wait3A_392 = tpu.memref_slice %arg2[%dma_wait3A_390, %dma_wait3A_391] : memref<280000x32xf32, #tpu.memory_space<hbm>> -> memref<128x32xf32, #tpu.memory_space<hbm>>
      tpu.wait_dma2 semaphore(%arg18 : memref<!tpu.dma_semaphore, #tpu.memory_space<semaphore_mem>>) src(%dma_wait3A_392 : memref<128x32xf32, #tpu.memory_space<hbm>>) dst(%dma_wait3A_389 : memref<128x32xf32, #tpu.memory_space<vmem>>)
      %add3A_393 = arith.constant 4 : i32
      %add3A_394 = arith.addi %mul3A_273, %add3A_393 : i32
      %run_scoped3A_395 = arith.constant 4 : i32
      "tpu.region"() ({
        %run_scoped3A_486 = tpu.sem_alloc : memref<!tpu.dma_semaphore, #tpu.memory_space<semaphore_mem>>
        %dma_start3A_487 = arith.constant 0 : i32
        %dma_start3A_488 = arith.constant 0 : i32
        %dma_start3A_489 = tpu.memref_slice %arg11[%run_scoped3A_395, %dma_start3A_487, %dma_start3A_488] : memref<8x128x32xf32, #tpu.memory_space<vmem>> -> memref<1x128x32xf32, #tpu.memory_space<vmem>>
        %dma_start3A_490 = tpu.memref_squeeze %dma_start3A_489 : memref<1x128x32xf32, #tpu.memory_space<vmem>> -> memref<128x32xf32, #tpu.memory_space<vmem>>
        %dma_start3A_491 = arith.constant 0 : i32
        %dma_start3A_492 = tpu.memref_slice %arg10[%add3A_394, %dma_start3A_491] : memref<40x128xi32, #tpu.memory_space<vmem>> -> memref<1x128xi32, #tpu.memory_space<vmem>>
        %dma_start3A_493 = tpu.memref_squeeze %dma_start3A_492 : memref<1x128xi32, #tpu.memory_space<vmem>> -> memref<128xi32, #tpu.memory_space<vmem>>
        %dma_start3A_494 = arith.constant 0 : i32
        %dma_start3A_495 = arith.constant 0 : i32
        %dma_start3A_496 = tpu.memref_slice %arg13[%dma_start3A_494, %dma_start3A_495] : memref<10240x32xf32, #tpu.memory_space<vmem_shared>> -> memref<10240x32xf32, #tpu.memory_space<vmem_shared>>
        tpu.enqueue_indirect_dma source(%dma_start3A_490 : memref<128x32xf32, #tpu.memory_space<vmem>>) target(%dma_start3A_496 : memref<10240x32xf32, #tpu.memory_space<vmem_shared>>) offsets(%dma_start3A_493 : memref<128xi32, #tpu.memory_space<vmem>>) semaphore(%run_scoped3A_486 : memref<!tpu.dma_semaphore, #tpu.memory_space<semaphore_mem>>) {add = true}
        %dma_wait3A_497 = arith.constant 0 : i32
        %dma_wait3A_498 = arith.constant 0 : i32
        %dma_wait3A_499 = tpu.memref_slice %arg11[%run_scoped3A_395, %dma_wait3A_497, %dma_wait3A_498] : memref<8x128x32xf32, #tpu.memory_space<vmem>> -> memref<1x128x32xf32, #tpu.memory_space<vmem>>
        %dma_wait3A_500 = tpu.memref_squeeze %dma_wait3A_499 : memref<1x128x32xf32, #tpu.memory_space<vmem>> -> memref<128x32xf32, #tpu.memory_space<vmem>>
        %dma_wait3A_501 = arith.constant 0 : i32
        %dma_wait3A_502 = tpu.memref_slice %arg10[%add3A_394, %dma_wait3A_501] : memref<40x128xi32, #tpu.memory_space<vmem>> -> memref<1x128xi32, #tpu.memory_space<vmem>>
        %dma_wait3A_503 = tpu.memref_squeeze %dma_wait3A_502 : memref<1x128xi32, #tpu.memory_space<vmem>> -> memref<128xi32, #tpu.memory_space<vmem>>
        %dma_wait3A_504 = arith.constant 0 : i32
        %dma_wait3A_505 = arith.constant 0 : i32
        %dma_wait3A_506 = tpu.memref_slice %arg13[%dma_wait3A_504, %dma_wait3A_505] : memref<10240x32xf32, #tpu.memory_space<vmem_shared>> -> memref<10240x32xf32, #tpu.memory_space<vmem_shared>>
        tpu.wait_indirect_dma semaphore(%run_scoped3A_486 : memref<!tpu.dma_semaphore, #tpu.memory_space<semaphore_mem>>) src(%dma_wait3A_500 : memref<128x32xf32, #tpu.memory_space<vmem>>) dst(%dma_wait3A_506 : memref<10240x32xf32, #tpu.memory_space<vmem_shared>>)
        tpu.yield
      }) : () -> ()
      %add3A_396 = arith.constant 4 : i32
      %add3A_397 = arith.addi %mul3A_273, %add3A_396 : i32
      %add3A_398 = arith.constant 8 : i32
      %add3A_399 = arith.addi %add3A_397, %add3A_398 : i32
      %lt3A_400 = arith.constant 40 : i32
      %lt3A_401 = arith.cmpi slt, %add3A_399, %lt3A_400 : i32
      %convert_element_type3A_402 = arith.extui %lt3A_401 : i1 to i32
      %cond3A_403 = arith.constant 0 : i32
      %cond3A_404 = arith.cmpi ne, %convert_element_type3A_402, %cond3A_403 : i32
      scf.if %cond3A_404 {
        %add3A_486 = arith.constant 4 : i32
        %add3A_487 = arith.addi %mul3A_273, %add3A_486 : i32
        %add3A_488 = arith.constant 8 : i32
        %add3A_489 = arith.addi %add3A_487, %add3A_488 : i32
        %mul3A_490 = arith.constant 128 : i32
        %mul3A_491 = arith.muli %add3A_489, %mul3A_490 : i32
        %dma_start3A_492 = arith.constant 4 : i32
        %dma_start3A_493 = arith.constant 0 : i32
        %dma_start3A_494 = arith.constant 0 : i32
        %dma_start3A_495 = tpu.memref_slice %arg11[%dma_start3A_492, %dma_start3A_493, %dma_start3A_494] : memref<8x128x32xf32, #tpu.memory_space<vmem>> -> memref<1x128x32xf32, #tpu.memory_space<vmem>>
        %dma_start3A_496 = tpu.memref_squeeze %dma_start3A_495 : memref<1x128x32xf32, #tpu.memory_space<vmem>> -> memref<128x32xf32, #tpu.memory_space<vmem>>
        %dma_start3A_497 = tpu.memref_slice %arg9[%mul3A_491] : memref<5120xi32, #tpu.memory_space<vmem>> -> memref<128xi32, #tpu.memory_space<vmem>>
        %dma_start3A_498 = arith.constant 0 : i32
        %dma_start3A_499 = arith.constant 0 : i32
        %dma_start3A_500 = tpu.memref_slice %arg2[%dma_start3A_498, %dma_start3A_499] : memref<280000x32xf32, #tpu.memory_space<hbm>> -> memref<280000x32xf32, #tpu.memory_space<hbm>>
        tpu.enqueue_indirect_dma source(%dma_start3A_500 : memref<280000x32xf32, #tpu.memory_space<hbm>>) target(%dma_start3A_496 : memref<128x32xf32, #tpu.memory_space<vmem>>) offsets(%dma_start3A_497 : memref<128xi32, #tpu.memory_space<vmem>>) semaphore(%arg18 : memref<!tpu.dma_semaphore, #tpu.memory_space<semaphore_mem>>)
      } else {
      }
      %dma_wait3A_405 = arith.constant 5 : i32
      %dma_wait3A_406 = arith.constant 0 : i32
      %dma_wait3A_407 = arith.constant 0 : i32
      %dma_wait3A_408 = tpu.memref_slice %arg11[%dma_wait3A_405, %dma_wait3A_406, %dma_wait3A_407] : memref<8x128x32xf32, #tpu.memory_space<vmem>> -> memref<1x128x32xf32, #tpu.memory_space<vmem>>
      %dma_wait3A_409 = tpu.memref_squeeze %dma_wait3A_408 : memref<1x128x32xf32, #tpu.memory_space<vmem>> -> memref<128x32xf32, #tpu.memory_space<vmem>>
      %dma_wait3A_410 = arith.constant 0 : i32
      %dma_wait3A_411 = arith.constant 0 : i32
      %dma_wait3A_412 = tpu.memref_slice %arg2[%dma_wait3A_410, %dma_wait3A_411] : memref<280000x32xf32, #tpu.memory_space<hbm>> -> memref<128x32xf32, #tpu.memory_space<hbm>>
      %dma_wait3A_413 = arith.constant 0 : i32
      %dma_wait3A_414 = arith.constant 0 : i32
      %dma_wait3A_415 = tpu.memref_slice %arg11[%dma_wait3A_405, %dma_wait3A_413, %dma_wait3A_414] : memref<8x128x32xf32, #tpu.memory_space<vmem>> -> memref<1x128x32xf32, #tpu.memory_space<vmem>>
      %dma_wait3A_416 = tpu.memref_squeeze %dma_wait3A_415 : memref<1x128x32xf32, #tpu.memory_space<vmem>> -> memref<128x32xf32, #tpu.memory_space<vmem>>
      %dma_wait3A_417 = arith.constant 0 : i32
      %dma_wait3A_418 = arith.constant 0 : i32
      %dma_wait3A_419 = tpu.memref_slice %arg2[%dma_wait3A_417, %dma_wait3A_418] : memref<280000x32xf32, #tpu.memory_space<hbm>> -> memref<128x32xf32, #tpu.memory_space<hbm>>
      tpu.wait_dma2 semaphore(%arg19 : memref<!tpu.dma_semaphore, #tpu.memory_space<semaphore_mem>>) src(%dma_wait3A_419 : memref<128x32xf32, #tpu.memory_space<hbm>>) dst(%dma_wait3A_416 : memref<128x32xf32, #tpu.memory_space<vmem>>)
      %add3A_420 = arith.constant 5 : i32
      %add3A_421 = arith.addi %mul3A_273, %add3A_420 : i32
      %run_scoped3A_422 = arith.constant 5 : i32
      "tpu.region"() ({
        %run_scoped3A_486 = tpu.sem_alloc : memref<!tpu.dma_semaphore, #tpu.memory_space<semaphore_mem>>
        %dma_start3A_487 = arith.constant 0 : i32
        %dma_start3A_488 = arith.constant 0 : i32
        %dma_start3A_489 = tpu.memref_slice %arg11[%run_scoped3A_422, %dma_start3A_487, %dma_start3A_488] : memref<8x128x32xf32, #tpu.memory_space<vmem>> -> memref<1x128x32xf32, #tpu.memory_space<vmem>>
        %dma_start3A_490 = tpu.memref_squeeze %dma_start3A_489 : memref<1x128x32xf32, #tpu.memory_space<vmem>> -> memref<128x32xf32, #tpu.memory_space<vmem>>
        %dma_start3A_491 = arith.constant 0 : i32
        %dma_start3A_492 = tpu.memref_slice %arg10[%add3A_421, %dma_start3A_491] : memref<40x128xi32, #tpu.memory_space<vmem>> -> memref<1x128xi32, #tpu.memory_space<vmem>>
        %dma_start3A_493 = tpu.memref_squeeze %dma_start3A_492 : memref<1x128xi32, #tpu.memory_space<vmem>> -> memref<128xi32, #tpu.memory_space<vmem>>
        %dma_start3A_494 = arith.constant 0 : i32
        %dma_start3A_495 = arith.constant 0 : i32
        %dma_start3A_496 = tpu.memref_slice %arg13[%dma_start3A_494, %dma_start3A_495] : memref<10240x32xf32, #tpu.memory_space<vmem_shared>> -> memref<10240x32xf32, #tpu.memory_space<vmem_shared>>
        tpu.enqueue_indirect_dma source(%dma_start3A_490 : memref<128x32xf32, #tpu.memory_space<vmem>>) target(%dma_start3A_496 : memref<10240x32xf32, #tpu.memory_space<vmem_shared>>) offsets(%dma_start3A_493 : memref<128xi32, #tpu.memory_space<vmem>>) semaphore(%run_scoped3A_486 : memref<!tpu.dma_semaphore, #tpu.memory_space<semaphore_mem>>) {add = true}
        %dma_wait3A_497 = arith.constant 0 : i32
        %dma_wait3A_498 = arith.constant 0 : i32
        %dma_wait3A_499 = tpu.memref_slice %arg11[%run_scoped3A_422, %dma_wait3A_497, %dma_wait3A_498] : memref<8x128x32xf32, #tpu.memory_space<vmem>> -> memref<1x128x32xf32, #tpu.memory_space<vmem>>
        %dma_wait3A_500 = tpu.memref_squeeze %dma_wait3A_499 : memref<1x128x32xf32, #tpu.memory_space<vmem>> -> memref<128x32xf32, #tpu.memory_space<vmem>>
        %dma_wait3A_501 = arith.constant 0 : i32
        %dma_wait3A_502 = tpu.memref_slice %arg10[%add3A_421, %dma_wait3A_501] : memref<40x128xi32, #tpu.memory_space<vmem>> -> memref<1x128xi32, #tpu.memory_space<vmem>>
        %dma_wait3A_503 = tpu.memref_squeeze %dma_wait3A_502 : memref<1x128xi32, #tpu.memory_space<vmem>> -> memref<128xi32, #tpu.memory_space<vmem>>
        %dma_wait3A_504 = arith.constant 0 : i32
        %dma_wait3A_505 = arith.constant 0 : i32
        %dma_wait3A_506 = tpu.memref_slice %arg13[%dma_wait3A_504, %dma_wait3A_505] : memref<10240x32xf32, #tpu.memory_space<vmem_shared>> -> memref<10240x32xf32, #tpu.memory_space<vmem_shared>>
        tpu.wait_indirect_dma semaphore(%run_scoped3A_486 : memref<!tpu.dma_semaphore, #tpu.memory_space<semaphore_mem>>) src(%dma_wait3A_500 : memref<128x32xf32, #tpu.memory_space<vmem>>) dst(%dma_wait3A_506 : memref<10240x32xf32, #tpu.memory_space<vmem_shared>>)
        tpu.yield
      }) : () -> ()
      %add3A_423 = arith.constant 5 : i32
      %add3A_424 = arith.addi %mul3A_273, %add3A_423 : i32
      %add3A_425 = arith.constant 8 : i32
      %add3A_426 = arith.addi %add3A_424, %add3A_425 : i32
      %lt3A_427 = arith.constant 40 : i32
      %lt3A_428 = arith.cmpi slt, %add3A_426, %lt3A_427 : i32
      %convert_element_type3A_429 = arith.extui %lt3A_428 : i1 to i32
      %cond3A_430 = arith.constant 0 : i32
      %cond3A_431 = arith.cmpi ne, %convert_element_type3A_429, %cond3A_430 : i32
      scf.if %cond3A_431 {
        %add3A_486 = arith.constant 5 : i32
        %add3A_487 = arith.addi %mul3A_273, %add3A_486 : i32
        %add3A_488 = arith.constant 8 : i32
        %add3A_489 = arith.addi %add3A_487, %add3A_488 : i32
        %mul3A_490 = arith.constant 128 : i32
        %mul3A_491 = arith.muli %add3A_489, %mul3A_490 : i32
        %dma_start3A_492 = arith.constant 5 : i32
        %dma_start3A_493 = arith.constant 0 : i32
        %dma_start3A_494 = arith.constant 0 : i32
        %dma_start3A_495 = tpu.memref_slice %arg11[%dma_start3A_492, %dma_start3A_493, %dma_start3A_494] : memref<8x128x32xf32, #tpu.memory_space<vmem>> -> memref<1x128x32xf32, #tpu.memory_space<vmem>>
        %dma_start3A_496 = tpu.memref_squeeze %dma_start3A_495 : memref<1x128x32xf32, #tpu.memory_space<vmem>> -> memref<128x32xf32, #tpu.memory_space<vmem>>
        %dma_start3A_497 = tpu.memref_slice %arg9[%mul3A_491] : memref<5120xi32, #tpu.memory_space<vmem>> -> memref<128xi32, #tpu.memory_space<vmem>>
        %dma_start3A_498 = arith.constant 0 : i32
        %dma_start3A_499 = arith.constant 0 : i32
        %dma_start3A_500 = tpu.memref_slice %arg2[%dma_start3A_498, %dma_start3A_499] : memref<280000x32xf32, #tpu.memory_space<hbm>> -> memref<280000x32xf32, #tpu.memory_space<hbm>>
        tpu.enqueue_indirect_dma source(%dma_start3A_500 : memref<280000x32xf32, #tpu.memory_space<hbm>>) target(%dma_start3A_496 : memref<128x32xf32, #tpu.memory_space<vmem>>) offsets(%dma_start3A_497 : memref<128xi32, #tpu.memory_space<vmem>>) semaphore(%arg19 : memref<!tpu.dma_semaphore, #tpu.memory_space<semaphore_mem>>)
      } else {
      }
      %dma_wait3A_432 = arith.constant 6 : i32
      %dma_wait3A_433 = arith.constant 0 : i32
      %dma_wait3A_434 = arith.constant 0 : i32
      %dma_wait3A_435 = tpu.memref_slice %arg11[%dma_wait3A_432, %dma_wait3A_433, %dma_wait3A_434] : memref<8x128x32xf32, #tpu.memory_space<vmem>> -> memref<1x128x32xf32, #tpu.memory_space<vmem>>
      %dma_wait3A_436 = tpu.memref_squeeze %dma_wait3A_435 : memref<1x128x32xf32, #tpu.memory_space<vmem>> -> memref<128x32xf32, #tpu.memory_space<vmem>>
      %dma_wait3A_437 = arith.constant 0 : i32
      %dma_wait3A_438 = arith.constant 0 : i32
      %dma_wait3A_439 = tpu.memref_slice %arg2[%dma_wait3A_437, %dma_wait3A_438] : memref<280000x32xf32, #tpu.memory_space<hbm>> -> memref<128x32xf32, #tpu.memory_space<hbm>>
      %dma_wait3A_440 = arith.constant 0 : i32
      %dma_wait3A_441 = arith.constant 0 : i32
      %dma_wait3A_442 = tpu.memref_slice %arg11[%dma_wait3A_432, %dma_wait3A_440, %dma_wait3A_441] : memref<8x128x32xf32, #tpu.memory_space<vmem>> -> memref<1x128x32xf32, #tpu.memory_space<vmem>>
      %dma_wait3A_443 = tpu.memref_squeeze %dma_wait3A_442 : memref<1x128x32xf32, #tpu.memory_space<vmem>> -> memref<128x32xf32, #tpu.memory_space<vmem>>
      %dma_wait3A_444 = arith.constant 0 : i32
      %dma_wait3A_445 = arith.constant 0 : i32
      %dma_wait3A_446 = tpu.memref_slice %arg2[%dma_wait3A_444, %dma_wait3A_445] : memref<280000x32xf32, #tpu.memory_space<hbm>> -> memref<128x32xf32, #tpu.memory_space<hbm>>
      tpu.wait_dma2 semaphore(%arg20 : memref<!tpu.dma_semaphore, #tpu.memory_space<semaphore_mem>>) src(%dma_wait3A_446 : memref<128x32xf32, #tpu.memory_space<hbm>>) dst(%dma_wait3A_443 : memref<128x32xf32, #tpu.memory_space<vmem>>)
      %add3A_447 = arith.constant 6 : i32
      %add3A_448 = arith.addi %mul3A_273, %add3A_447 : i32
      %run_scoped3A_449 = arith.constant 6 : i32
      "tpu.region"() ({
        %run_scoped3A_486 = tpu.sem_alloc : memref<!tpu.dma_semaphore, #tpu.memory_space<semaphore_mem>>
        %dma_start3A_487 = arith.constant 0 : i32
        %dma_start3A_488 = arith.constant 0 : i32
        %dma_start3A_489 = tpu.memref_slice %arg11[%run_scoped3A_449, %dma_start3A_487, %dma_start3A_488] : memref<8x128x32xf32, #tpu.memory_space<vmem>> -> memref<1x128x32xf32, #tpu.memory_space<vmem>>
        %dma_start3A_490 = tpu.memref_squeeze %dma_start3A_489 : memref<1x128x32xf32, #tpu.memory_space<vmem>> -> memref<128x32xf32, #tpu.memory_space<vmem>>
        %dma_start3A_491 = arith.constant 0 : i32
        %dma_start3A_492 = tpu.memref_slice %arg10[%add3A_448, %dma_start3A_491] : memref<40x128xi32, #tpu.memory_space<vmem>> -> memref<1x128xi32, #tpu.memory_space<vmem>>
        %dma_start3A_493 = tpu.memref_squeeze %dma_start3A_492 : memref<1x128xi32, #tpu.memory_space<vmem>> -> memref<128xi32, #tpu.memory_space<vmem>>
        %dma_start3A_494 = arith.constant 0 : i32
        %dma_start3A_495 = arith.constant 0 : i32
        %dma_start3A_496 = tpu.memref_slice %arg13[%dma_start3A_494, %dma_start3A_495] : memref<10240x32xf32, #tpu.memory_space<vmem_shared>> -> memref<10240x32xf32, #tpu.memory_space<vmem_shared>>
        tpu.enqueue_indirect_dma source(%dma_start3A_490 : memref<128x32xf32, #tpu.memory_space<vmem>>) target(%dma_start3A_496 : memref<10240x32xf32, #tpu.memory_space<vmem_shared>>) offsets(%dma_start3A_493 : memref<128xi32, #tpu.memory_space<vmem>>) semaphore(%run_scoped3A_486 : memref<!tpu.dma_semaphore, #tpu.memory_space<semaphore_mem>>) {add = true}
        %dma_wait3A_497 = arith.constant 0 : i32
        %dma_wait3A_498 = arith.constant 0 : i32
        %dma_wait3A_499 = tpu.memref_slice %arg11[%run_scoped3A_449, %dma_wait3A_497, %dma_wait3A_498] : memref<8x128x32xf32, #tpu.memory_space<vmem>> -> memref<1x128x32xf32, #tpu.memory_space<vmem>>
        %dma_wait3A_500 = tpu.memref_squeeze %dma_wait3A_499 : memref<1x128x32xf32, #tpu.memory_space<vmem>> -> memref<128x32xf32, #tpu.memory_space<vmem>>
        %dma_wait3A_501 = arith.constant 0 : i32
        %dma_wait3A_502 = tpu.memref_slice %arg10[%add3A_448, %dma_wait3A_501] : memref<40x128xi32, #tpu.memory_space<vmem>> -> memref<1x128xi32, #tpu.memory_space<vmem>>
        %dma_wait3A_503 = tpu.memref_squeeze %dma_wait3A_502 : memref<1x128xi32, #tpu.memory_space<vmem>> -> memref<128xi32, #tpu.memory_space<vmem>>
        %dma_wait3A_504 = arith.constant 0 : i32
        %dma_wait3A_505 = arith.constant 0 : i32
        %dma_wait3A_506 = tpu.memref_slice %arg13[%dma_wait3A_504, %dma_wait3A_505] : memref<10240x32xf32, #tpu.memory_space<vmem_shared>> -> memref<10240x32xf32, #tpu.memory_space<vmem_shared>>
        tpu.wait_indirect_dma semaphore(%run_scoped3A_486 : memref<!tpu.dma_semaphore, #tpu.memory_space<semaphore_mem>>) src(%dma_wait3A_500 : memref<128x32xf32, #tpu.memory_space<vmem>>) dst(%dma_wait3A_506 : memref<10240x32xf32, #tpu.memory_space<vmem_shared>>)
        tpu.yield
      }) : () -> ()
      %add3A_450 = arith.constant 6 : i32
      %add3A_451 = arith.addi %mul3A_273, %add3A_450 : i32
      %add3A_452 = arith.constant 8 : i32
      %add3A_453 = arith.addi %add3A_451, %add3A_452 : i32
      %lt3A_454 = arith.constant 40 : i32
      %lt3A_455 = arith.cmpi slt, %add3A_453, %lt3A_454 : i32
      %convert_element_type3A_456 = arith.extui %lt3A_455 : i1 to i32
      %cond3A_457 = arith.constant 0 : i32
      %cond3A_458 = arith.cmpi ne, %convert_element_type3A_456, %cond3A_457 : i32
      scf.if %cond3A_458 {
        %add3A_486 = arith.constant 6 : i32
        %add3A_487 = arith.addi %mul3A_273, %add3A_486 : i32
        %add3A_488 = arith.constant 8 : i32
        %add3A_489 = arith.addi %add3A_487, %add3A_488 : i32
        %mul3A_490 = arith.constant 128 : i32
        %mul3A_491 = arith.muli %add3A_489, %mul3A_490 : i32
        %dma_start3A_492 = arith.constant 6 : i32
        %dma_start3A_493 = arith.constant 0 : i32
        %dma_start3A_494 = arith.constant 0 : i32
        %dma_start3A_495 = tpu.memref_slice %arg11[%dma_start3A_492, %dma_start3A_493, %dma_start3A_494] : memref<8x128x32xf32, #tpu.memory_space<vmem>> -> memref<1x128x32xf32, #tpu.memory_space<vmem>>
        %dma_start3A_496 = tpu.memref_squeeze %dma_start3A_495 : memref<1x128x32xf32, #tpu.memory_space<vmem>> -> memref<128x32xf32, #tpu.memory_space<vmem>>
        %dma_start3A_497 = tpu.memref_slice %arg9[%mul3A_491] : memref<5120xi32, #tpu.memory_space<vmem>> -> memref<128xi32, #tpu.memory_space<vmem>>
        %dma_start3A_498 = arith.constant 0 : i32
        %dma_start3A_499 = arith.constant 0 : i32
        %dma_start3A_500 = tpu.memref_slice %arg2[%dma_start3A_498, %dma_start3A_499] : memref<280000x32xf32, #tpu.memory_space<hbm>> -> memref<280000x32xf32, #tpu.memory_space<hbm>>
        tpu.enqueue_indirect_dma source(%dma_start3A_500 : memref<280000x32xf32, #tpu.memory_space<hbm>>) target(%dma_start3A_496 : memref<128x32xf32, #tpu.memory_space<vmem>>) offsets(%dma_start3A_497 : memref<128xi32, #tpu.memory_space<vmem>>) semaphore(%arg20 : memref<!tpu.dma_semaphore, #tpu.memory_space<semaphore_mem>>)
      } else {
      }
      %dma_wait3A_459 = arith.constant 7 : i32
      %dma_wait3A_460 = arith.constant 0 : i32
      %dma_wait3A_461 = arith.constant 0 : i32
      %dma_wait3A_462 = tpu.memref_slice %arg11[%dma_wait3A_459, %dma_wait3A_460, %dma_wait3A_461] : memref<8x128x32xf32, #tpu.memory_space<vmem>> -> memref<1x128x32xf32, #tpu.memory_space<vmem>>
      %dma_wait3A_463 = tpu.memref_squeeze %dma_wait3A_462 : memref<1x128x32xf32, #tpu.memory_space<vmem>> -> memref<128x32xf32, #tpu.memory_space<vmem>>
      %dma_wait3A_464 = arith.constant 0 : i32
      %dma_wait3A_465 = arith.constant 0 : i32
      %dma_wait3A_466 = tpu.memref_slice %arg2[%dma_wait3A_464, %dma_wait3A_465] : memref<280000x32xf32, #tpu.memory_space<hbm>> -> memref<128x32xf32, #tpu.memory_space<hbm>>
      %dma_wait3A_467 = arith.constant 0 : i32
      %dma_wait3A_468 = arith.constant 0 : i32
      %dma_wait3A_469 = tpu.memref_slice %arg11[%dma_wait3A_459, %dma_wait3A_467, %dma_wait3A_468] : memref<8x128x32xf32, #tpu.memory_space<vmem>> -> memref<1x128x32xf32, #tpu.memory_space<vmem>>
      %dma_wait3A_470 = tpu.memref_squeeze %dma_wait3A_469 : memref<1x128x32xf32, #tpu.memory_space<vmem>> -> memref<128x32xf32, #tpu.memory_space<vmem>>
      %dma_wait3A_471 = arith.constant 0 : i32
      %dma_wait3A_472 = arith.constant 0 : i32
      %dma_wait3A_473 = tpu.memref_slice %arg2[%dma_wait3A_471, %dma_wait3A_472] : memref<280000x32xf32, #tpu.memory_space<hbm>> -> memref<128x32xf32, #tpu.memory_space<hbm>>
      tpu.wait_dma2 semaphore(%arg21 : memref<!tpu.dma_semaphore, #tpu.memory_space<semaphore_mem>>) src(%dma_wait3A_473 : memref<128x32xf32, #tpu.memory_space<hbm>>) dst(%dma_wait3A_470 : memref<128x32xf32, #tpu.memory_space<vmem>>)
      %add3A_474 = arith.constant 7 : i32
      %add3A_475 = arith.addi %mul3A_273, %add3A_474 : i32
      %run_scoped3A_476 = arith.constant 7 : i32
      "tpu.region"() ({
        %run_scoped3A_486 = tpu.sem_alloc : memref<!tpu.dma_semaphore, #tpu.memory_space<semaphore_mem>>
        %dma_start3A_487 = arith.constant 0 : i32
        %dma_start3A_488 = arith.constant 0 : i32
        %dma_start3A_489 = tpu.memref_slice %arg11[%run_scoped3A_476, %dma_start3A_487, %dma_start3A_488] : memref<8x128x32xf32, #tpu.memory_space<vmem>> -> memref<1x128x32xf32, #tpu.memory_space<vmem>>
        %dma_start3A_490 = tpu.memref_squeeze %dma_start3A_489 : memref<1x128x32xf32, #tpu.memory_space<vmem>> -> memref<128x32xf32, #tpu.memory_space<vmem>>
        %dma_start3A_491 = arith.constant 0 : i32
        %dma_start3A_492 = tpu.memref_slice %arg10[%add3A_475, %dma_start3A_491] : memref<40x128xi32, #tpu.memory_space<vmem>> -> memref<1x128xi32, #tpu.memory_space<vmem>>
        %dma_start3A_493 = tpu.memref_squeeze %dma_start3A_492 : memref<1x128xi32, #tpu.memory_space<vmem>> -> memref<128xi32, #tpu.memory_space<vmem>>
        %dma_start3A_494 = arith.constant 0 : i32
        %dma_start3A_495 = arith.constant 0 : i32
        %dma_start3A_496 = tpu.memref_slice %arg13[%dma_start3A_494, %dma_start3A_495] : memref<10240x32xf32, #tpu.memory_space<vmem_shared>> -> memref<10240x32xf32, #tpu.memory_space<vmem_shared>>
        tpu.enqueue_indirect_dma source(%dma_start3A_490 : memref<128x32xf32, #tpu.memory_space<vmem>>) target(%dma_start3A_496 : memref<10240x32xf32, #tpu.memory_space<vmem_shared>>) offsets(%dma_start3A_493 : memref<128xi32, #tpu.memory_space<vmem>>) semaphore(%run_scoped3A_486 : memref<!tpu.dma_semaphore, #tpu.memory_space<semaphore_mem>>) {add = true}
        %dma_wait3A_497 = arith.constant 0 : i32
        %dma_wait3A_498 = arith.constant 0 : i32
        %dma_wait3A_499 = tpu.memref_slice %arg11[%run_scoped3A_476, %dma_wait3A_497, %dma_wait3A_498] : memref<8x128x32xf32, #tpu.memory_space<vmem>> -> memref<1x128x32xf32, #tpu.memory_space<vmem>>
        %dma_wait3A_500 = tpu.memref_squeeze %dma_wait3A_499 : memref<1x128x32xf32, #tpu.memory_space<vmem>> -> memref<128x32xf32, #tpu.memory_space<vmem>>
        %dma_wait3A_501 = arith.constant 0 : i32
        %dma_wait3A_502 = tpu.memref_slice %arg10[%add3A_475, %dma_wait3A_501] : memref<40x128xi32, #tpu.memory_space<vmem>> -> memref<1x128xi32, #tpu.memory_space<vmem>>
        %dma_wait3A_503 = tpu.memref_squeeze %dma_wait3A_502 : memref<1x128xi32, #tpu.memory_space<vmem>> -> memref<128xi32, #tpu.memory_space<vmem>>
        %dma_wait3A_504 = arith.constant 0 : i32
        %dma_wait3A_505 = arith.constant 0 : i32
        %dma_wait3A_506 = tpu.memref_slice %arg13[%dma_wait3A_504, %dma_wait3A_505] : memref<10240x32xf32, #tpu.memory_space<vmem_shared>> -> memref<10240x32xf32, #tpu.memory_space<vmem_shared>>
        tpu.wait_indirect_dma semaphore(%run_scoped3A_486 : memref<!tpu.dma_semaphore, #tpu.memory_space<semaphore_mem>>) src(%dma_wait3A_500 : memref<128x32xf32, #tpu.memory_space<vmem>>) dst(%dma_wait3A_506 : memref<10240x32xf32, #tpu.memory_space<vmem_shared>>)
        tpu.yield
      }) : () -> ()
      %add3A_477 = arith.constant 7 : i32
      %add3A_478 = arith.addi %mul3A_273, %add3A_477 : i32
      %add3A_479 = arith.constant 8 : i32
      %add3A_480 = arith.addi %add3A_478, %add3A_479 : i32
      %lt3A_481 = arith.constant 40 : i32
      %lt3A_482 = arith.cmpi slt, %add3A_480, %lt3A_481 : i32
      %convert_element_type3A_483 = arith.extui %lt3A_482 : i1 to i32
      %cond3A_484 = arith.constant 0 : i32
      %cond3A_485 = arith.cmpi ne, %convert_element_type3A_483, %cond3A_484 : i32
      scf.if %cond3A_485 {
        %add3A_486 = arith.constant 7 : i32
        %add3A_487 = arith.addi %mul3A_273, %add3A_486 : i32
        %add3A_488 = arith.constant 8 : i32
        %add3A_489 = arith.addi %add3A_487, %add3A_488 : i32
        %mul3A_490 = arith.constant 128 : i32
        %mul3A_491 = arith.muli %add3A_489, %mul3A_490 : i32
        %dma_start3A_492 = arith.constant 7 : i32
        %dma_start3A_493 = arith.constant 0 : i32
        %dma_start3A_494 = arith.constant 0 : i32
        %dma_start3A_495 = tpu.memref_slice %arg11[%dma_start3A_492, %dma_start3A_493, %dma_start3A_494] : memref<8x128x32xf32, #tpu.memory_space<vmem>> -> memref<1x128x32xf32, #tpu.memory_space<vmem>>
        %dma_start3A_496 = tpu.memref_squeeze %dma_start3A_495 : memref<1x128x32xf32, #tpu.memory_space<vmem>> -> memref<128x32xf32, #tpu.memory_space<vmem>>
        %dma_start3A_497 = tpu.memref_slice %arg9[%mul3A_491] : memref<5120xi32, #tpu.memory_space<vmem>> -> memref<128xi32, #tpu.memory_space<vmem>>
        %dma_start3A_498 = arith.constant 0 : i32
        %dma_start3A_499 = arith.constant 0 : i32
        %dma_start3A_500 = tpu.memref_slice %arg2[%dma_start3A_498, %dma_start3A_499] : memref<280000x32xf32, #tpu.memory_space<hbm>> -> memref<280000x32xf32, #tpu.memory_space<hbm>>
        tpu.enqueue_indirect_dma source(%dma_start3A_500 : memref<280000x32xf32, #tpu.memory_space<hbm>>) target(%dma_start3A_496 : memref<128x32xf32, #tpu.memory_space<vmem>>) offsets(%dma_start3A_497 : memref<128xi32, #tpu.memory_space<vmem>>) semaphore(%arg21 : memref<!tpu.dma_semaphore, #tpu.memory_space<semaphore_mem>>)
      } else {
      }
    }
    %scan3A_262 = arith.constant 5 : i32
    %barrier3A_263 = arith.constant 0 : index
    tpu.barrier barrier_id(%barrier3A_263)
    %mul3A_264 = arith.constant 640 : i32
    %mul3A_265 = arith.muli %arg1, %mul3A_264 : i32
    %mul3A_266 = arith.constant 10240 : i32
    %mul3A_267 = arith.muli %arg0, %mul3A_266 : i32
    %mul3A_268 = arith.constant 640 : i32
    %mul3A_269 = arith.muli %arg1, %mul3A_268 : i32
    %add3A_270 = arith.addi %mul3A_267, %mul3A_269 : i32
    "tpu.region"() ({
      %run_scoped3A = tpu.sem_alloc : memref<!tpu.dma_semaphore, #tpu.memory_space<semaphore_mem>>
      %dma_start3A_271 = arith.constant 0 : i32
      %dma_start3A_272 = tpu.memref_slice %arg6[%add3A_270, %dma_start3A_271] : memref<20480x32xf32, #tpu.memory_space<hbm>> -> memref<640x32xf32, #tpu.memory_space<hbm>>
      %dma_start3A_273 = arith.constant 0 : i32
      %dma_start3A_274 = tpu.memref_slice %arg13[%mul3A_265, %dma_start3A_273] : memref<10240x32xf32, #tpu.memory_space<vmem_shared>> -> memref<640x32xf32, #tpu.memory_space<vmem_shared>>
      tpu.enqueue_dma source(%dma_start3A_274 : memref<640x32xf32, #tpu.memory_space<vmem_shared>>) target(%dma_start3A_272 : memref<640x32xf32, #tpu.memory_space<hbm>>) target_semaphore(%run_scoped3A : memref<!tpu.dma_semaphore, #tpu.memory_space<semaphore_mem>>)
      %dma_wait3A_275 = arith.constant 0 : i32
      %dma_wait3A_276 = tpu.memref_slice %arg6[%add3A_270, %dma_wait3A_275] : memref<20480x32xf32, #tpu.memory_space<hbm>> -> memref<640x32xf32, #tpu.memory_space<hbm>>
      %dma_wait3A_277 = arith.constant 0 : i32
      %dma_wait3A_278 = tpu.memref_slice %arg13[%mul3A_265, %dma_wait3A_277] : memref<10240x32xf32, #tpu.memory_space<vmem_shared>> -> memref<640x32xf32, #tpu.memory_space<vmem_shared>>
      tpu.wait_dma2 semaphore(%run_scoped3A : memref<!tpu.dma_semaphore, #tpu.memory_space<semaphore_mem>>) src(%dma_wait3A_278 : memref<640x32xf32, #tpu.memory_space<vmem_shared>>) dst(%dma_wait3A_276 : memref<640x32xf32, #tpu.memory_space<hbm>>)
      tpu.yield
    }) : () -> ()
    return
  }
}

module attributes {stable_mosaic.version = 14 : i64} {
  func.func @_tc1_body(%arg0: i32, %arg1: memref<2048x128xf32, #tpu.memory_space<vmem>>, %arg2: memref<128x32xf32, #tpu.memory_space<vmem>>, %arg3: memref<1x32xf32, #tpu.memory_space<vmem>>, %arg4: memref<32x896xf32, #tpu.memory_space<vmem>>, %arg5: memref<7x2048x128xf32, #tpu.memory_space<vmem>>) attributes {dimension_semantics = [#tpu.dimension_semantics<arbitrary>], iteration_bounds = array<i64: 5>, scalar_prefetch = 0 : i64, scratch_operands = 0 : i64, tpu.core_type = #tpu.core_type<tc>, window_params = [{transform_indices = @transform_0, window_bounds = array<i64: 2048, 128>}, {pipeline_mode = #tpu.pipeline_mode<synchronous>, transform_indices = @transform_1, window_bounds = array<i64: 128, 32>}, {pipeline_mode = #tpu.pipeline_mode<synchronous>, transform_indices = @transform_2, window_bounds = array<i64: 1, 32>}, {pipeline_mode = #tpu.pipeline_mode<synchronous>, transform_indices = @transform_3, window_bounds = array<i64: 32, 896>}, {transform_indices = @transform_4, window_bounds = array<i64: 7, 2048, 128>}]} {
    %get3A = arith.constant 0 : index
    %get3A_0 = arith.constant 0 : index
    %get3A_1 = vector.load %arg1[%get3A, %get3A_0] : memref<2048x128xf32, #tpu.memory_space<vmem>>, vector<2048x128xf32>
    %get3A_2 = arith.constant 0 : index
    %get3A_3 = arith.constant 0 : index
    %get3A_4 = vector.load %arg2[%get3A_2, %get3A_3] : memref<128x32xf32, #tpu.memory_space<vmem>>, vector<128x32xf32>
    %dot_general3A = arith.constant dense<0.000000e+00> : vector<2048x32xf32>
    %dot_general3A_5 = tpu.matmul %get3A_1, %get3A_4, %dot_general3A {dimension_numbers = #tpu.dot_dimension_numbers<[1], [0], [0], [1], [0, 0, 1, 1], [], []>, transpose_lhs_hint = false} : vector<2048x128xf32>, vector<128x32xf32>, vector<2048x32xf32> -> vector<2048x32xf32>
    %get3A_6 = arith.constant 0 : index
    %get3A_7 = arith.constant 0 : index
    %get3A_8 = vector.load %arg3[%get3A_6, %get3A_7] : memref<1x32xf32, #tpu.memory_space<vmem>>, vector<1x32xf32>
    %add3A = vector.broadcast %get3A_8 : vector<1x32xf32> to vector<2048x32xf32>
    %add3A_9 = arith.addf %dot_general3A_5, %add3A : vector<2048x32xf32>
    %max3A = arith.constant 0.000000e+00 : f32
    %max3A_10 = vector.broadcast %max3A : f32 to vector<2048x32xf32>
    %max3A_11 = arith.maximumf %add3A_9, %max3A_10 : vector<2048x32xf32>
    %get3A_12 = arith.constant 0 : index
    %get3A_13 = arith.constant 0 : index
    %get3A_14 = vector.load %arg4[%get3A_12, %get3A_13] : memref<32x896xf32, #tpu.memory_space<vmem>>, vector<32x128xf32>
    %dot_general3A_15 = arith.constant dense<0.000000e+00> : vector<2048x128xf32>
    %dot_general3A_16 = tpu.matmul %max3A_11, %get3A_14, %dot_general3A_15 {dimension_numbers = #tpu.dot_dimension_numbers<[1], [0], [0], [1], [0, 0, 1, 1], [], []>, transpose_lhs_hint = false} : vector<2048x32xf32>, vector<32x128xf32>, vector<2048x128xf32> -> vector<2048x128xf32>
    %swap3A = arith.constant 0 : index
    %swap3A_17 = arith.constant 0 : index
    %swap3A_18 = arith.constant 0 : index
    %swap3A_19 = vector.load %arg5[%swap3A, %swap3A_17, %swap3A_18] : memref<7x2048x128xf32, #tpu.memory_space<vmem>>, vector<1x2048x128xf32>
    %swap3A_20 = vector.shape_cast %swap3A_19 : vector<1x2048x128xf32> to vector<2048x128xf32>
    %swap3A_21 = vector.shape_cast %dot_general3A_16 : vector<2048x128xf32> to vector<1x2048x128xf32>
    tpu.vector_store %arg5[%swap3A, %swap3A_17, %swap3A_18], %swap3A_21 {strides = array<i32>} : memref<7x2048x128xf32, #tpu.memory_space<vmem>>, vector<1x2048x128xf32>,
    %get3A_22 = arith.constant 0 : index
    %get3A_23 = arith.constant 128 : index
    %get3A_24 = vector.load %arg4[%get3A_22, %get3A_23] : memref<32x896xf32, #tpu.memory_space<vmem>>, vector<32x128xf32>
    %dot_general3A_25 = arith.constant dense<0.000000e+00> : vector<2048x128xf32>
    %dot_general3A_26 = tpu.matmul %max3A_11, %get3A_24, %dot_general3A_25 {dimension_numbers = #tpu.dot_dimension_numbers<[1], [0], [0], [1], [0, 0, 1, 1], [], []>, transpose_lhs_hint = false} : vector<2048x32xf32>, vector<32x128xf32>, vector<2048x128xf32> -> vector<2048x128xf32>
    %swap3A_27 = arith.constant 1 : index
    %swap3A_28 = arith.constant 0 : index
    %swap3A_29 = arith.constant 0 : index
    %swap3A_30 = vector.load %arg5[%swap3A_27, %swap3A_28, %swap3A_29] : memref<7x2048x128xf32, #tpu.memory_space<vmem>>, vector<1x2048x128xf32>
    %swap3A_31 = vector.shape_cast %swap3A_30 : vector<1x2048x128xf32> to vector<2048x128xf32>
    %swap3A_32 = vector.shape_cast %dot_general3A_26 : vector<2048x128xf32> to vector<1x2048x128xf32>
    tpu.vector_store %arg5[%swap3A_27, %swap3A_28, %swap3A_29], %swap3A_32 {strides = array<i32>} : memref<7x2048x128xf32, #tpu.memory_space<vmem>>, vector<1x2048x128xf32>,
    %get3A_33 = arith.constant 0 : index
    %get3A_34 = arith.constant 256 : index
    %get3A_35 = vector.load %arg4[%get3A_33, %get3A_34] : memref<32x896xf32, #tpu.memory_space<vmem>>, vector<32x128xf32>
    %dot_general3A_36 = arith.constant dense<0.000000e+00> : vector<2048x128xf32>
    %dot_general3A_37 = tpu.matmul %max3A_11, %get3A_35, %dot_general3A_36 {dimension_numbers = #tpu.dot_dimension_numbers<[1], [0], [0], [1], [0, 0, 1, 1], [], []>, transpose_lhs_hint = false} : vector<2048x32xf32>, vector<32x128xf32>, vector<2048x128xf32> -> vector<2048x128xf32>
    %swap3A_38 = arith.constant 2 : index
    %swap3A_39 = arith.constant 0 : index
    %swap3A_40 = arith.constant 0 : index
    %swap3A_41 = vector.load %arg5[%swap3A_38, %swap3A_39, %swap3A_40] : memref<7x2048x128xf32, #tpu.memory_space<vmem>>, vector<1x2048x128xf32>
    %swap3A_42 = vector.shape_cast %swap3A_41 : vector<1x2048x128xf32> to vector<2048x128xf32>
    %swap3A_43 = vector.shape_cast %dot_general3A_37 : vector<2048x128xf32> to vector<1x2048x128xf32>
    tpu.vector_store %arg5[%swap3A_38, %swap3A_39, %swap3A_40], %swap3A_43 {strides = array<i32>} : memref<7x2048x128xf32, #tpu.memory_space<vmem>>, vector<1x2048x128xf32>,
    %get3A_44 = arith.constant 0 : index
    %get3A_45 = arith.constant 384 : index
    %get3A_46 = vector.load %arg4[%get3A_44, %get3A_45] : memref<32x896xf32, #tpu.memory_space<vmem>>, vector<32x128xf32>
    %dot_general3A_47 = arith.constant dense<0.000000e+00> : vector<2048x128xf32>
    %dot_general3A_48 = tpu.matmul %max3A_11, %get3A_46, %dot_general3A_47 {dimension_numbers = #tpu.dot_dimension_numbers<[1], [0], [0], [1], [0, 0, 1, 1], [], []>, transpose_lhs_hint = false} : vector<2048x32xf32>, vector<32x128xf32>, vector<2048x128xf32> -> vector<2048x128xf32>
    %swap3A_49 = arith.constant 3 : index
    %swap3A_50 = arith.constant 0 : index
    %swap3A_51 = arith.constant 0 : index
    %swap3A_52 = vector.load %arg5[%swap3A_49, %swap3A_50, %swap3A_51] : memref<7x2048x128xf32, #tpu.memory_space<vmem>>, vector<1x2048x128xf32>
    %swap3A_53 = vector.shape_cast %swap3A_52 : vector<1x2048x128xf32> to vector<2048x128xf32>
    %swap3A_54 = vector.shape_cast %dot_general3A_48 : vector<2048x128xf32> to vector<1x2048x128xf32>
    tpu.vector_store %arg5[%swap3A_49, %swap3A_50, %swap3A_51], %swap3A_54 {strides = array<i32>} : memref<7x2048x128xf32, #tpu.memory_space<vmem>>, vector<1x2048x128xf32>,
    %get3A_55 = arith.constant 0 : index
    %get3A_56 = arith.constant 512 : index
    %get3A_57 = vector.load %arg4[%get3A_55, %get3A_56] : memref<32x896xf32, #tpu.memory_space<vmem>>, vector<32x128xf32>
    %dot_general3A_58 = arith.constant dense<0.000000e+00> : vector<2048x128xf32>
    %dot_general3A_59 = tpu.matmul %max3A_11, %get3A_57, %dot_general3A_58 {dimension_numbers = #tpu.dot_dimension_numbers<[1], [0], [0], [1], [0, 0, 1, 1], [], []>, transpose_lhs_hint = false} : vector<2048x32xf32>, vector<32x128xf32>, vector<2048x128xf32> -> vector<2048x128xf32>
    %swap3A_60 = arith.constant 4 : index
    %swap3A_61 = arith.constant 0 : index
    %swap3A_62 = arith.constant 0 : index
    %swap3A_63 = vector.load %arg5[%swap3A_60, %swap3A_61, %swap3A_62] : memref<7x2048x128xf32, #tpu.memory_space<vmem>>, vector<1x2048x128xf32>
    %swap3A_64 = vector.shape_cast %swap3A_63 : vector<1x2048x128xf32> to vector<2048x128xf32>
    %swap3A_65 = vector.shape_cast %dot_general3A_59 : vector<2048x128xf32> to vector<1x2048x128xf32>
    tpu.vector_store %arg5[%swap3A_60, %swap3A_61, %swap3A_62], %swap3A_65 {strides = array<i32>} : memref<7x2048x128xf32, #tpu.memory_space<vmem>>, vector<1x2048x128xf32>,
    %get3A_66 = arith.constant 0 : index
    %get3A_67 = arith.constant 640 : index
    %get3A_68 = vector.load %arg4[%get3A_66, %get3A_67] : memref<32x896xf32, #tpu.memory_space<vmem>>, vector<32x128xf32>
    %dot_general3A_69 = arith.constant dense<0.000000e+00> : vector<2048x128xf32>
    %dot_general3A_70 = tpu.matmul %max3A_11, %get3A_68, %dot_general3A_69 {dimension_numbers = #tpu.dot_dimension_numbers<[1], [0], [0], [1], [0, 0, 1, 1], [], []>, transpose_lhs_hint = false} : vector<2048x32xf32>, vector<32x128xf32>, vector<2048x128xf32> -> vector<2048x128xf32>
    %swap3A_71 = arith.constant 5 : index
    %swap3A_72 = arith.constant 0 : index
    %swap3A_73 = arith.constant 0 : index
    %swap3A_74 = vector.load %arg5[%swap3A_71, %swap3A_72, %swap3A_73] : memref<7x2048x128xf32, #tpu.memory_space<vmem>>, vector<1x2048x128xf32>
    %swap3A_75 = vector.shape_cast %swap3A_74 : vector<1x2048x128xf32> to vector<2048x128xf32>
    %swap3A_76 = vector.shape_cast %dot_general3A_70 : vector<2048x128xf32> to vector<1x2048x128xf32>
    tpu.vector_store %arg5[%swap3A_71, %swap3A_72, %swap3A_73], %swap3A_76 {strides = array<i32>} : memref<7x2048x128xf32, #tpu.memory_space<vmem>>, vector<1x2048x128xf32>,
    %get3A_77 = arith.constant 0 : index
    %get3A_78 = arith.constant 768 : index
    %get3A_79 = vector.load %arg4[%get3A_77, %get3A_78] : memref<32x896xf32, #tpu.memory_space<vmem>>, vector<32x128xf32>
    %dot_general3A_80 = arith.constant dense<0.000000e+00> : vector<2048x128xf32>
    %dot_general3A_81 = tpu.matmul %max3A_11, %get3A_79, %dot_general3A_80 {dimension_numbers = #tpu.dot_dimension_numbers<[1], [0], [0], [1], [0, 0, 1, 1], [], []>, transpose_lhs_hint = false} : vector<2048x32xf32>, vector<32x128xf32>, vector<2048x128xf32> -> vector<2048x128xf32>
    %swap3A_82 = arith.constant 6 : index
    %swap3A_83 = arith.constant 0 : index
    %swap3A_84 = arith.constant 0 : index
    %swap3A_85 = vector.load %arg5[%swap3A_82, %swap3A_83, %swap3A_84] : memref<7x2048x128xf32, #tpu.memory_space<vmem>>, vector<1x2048x128xf32>
    %swap3A_86 = vector.shape_cast %swap3A_85 : vector<1x2048x128xf32> to vector<2048x128xf32>
    %swap3A_87 = vector.shape_cast %dot_general3A_81 : vector<2048x128xf32> to vector<1x2048x128xf32>
    tpu.vector_store %arg5[%swap3A_82, %swap3A_83, %swap3A_84], %swap3A_87 {strides = array<i32>} : memref<7x2048x128xf32, #tpu.memory_space<vmem>>, vector<1x2048x128xf32>,
    return
  }
  func.func @transform_0(%arg0: i32) -> (i32, i32) {
    %c0_i32 = arith.constant 0 : i32
    %c0_i32_0 = arith.constant 0 : i32
    return %arg0, %c0_i32 : i32, i32
  }
  func.func @transform_1(%arg0: i32) -> (i32, i32) {
    %c0_i32 = arith.constant 0 : i32
    %c0_i32_0 = arith.constant 0 : i32
    %c0_i32_1 = arith.constant 0 : i32
    return %c0_i32, %c0_i32_0 : i32, i32
  }
  func.func @transform_2(%arg0: i32) -> (i32, i32) {
    %c0_i32 = arith.constant 0 : i32
    %c0_i32_0 = arith.constant 0 : i32
    %c0_i32_1 = arith.constant 0 : i32
    return %c0_i32, %c0_i32_0 : i32, i32
  }
  func.func @transform_3(%arg0: i32) -> (i32, i32) {
    %c0_i32 = arith.constant 0 : i32
    %c0_i32_0 = arith.constant 0 : i32
    %c0_i32_1 = arith.constant 0 : i32
    return %c0_i32, %c0_i32_0 : i32, i32
  }
  func.func @transform_4(%arg0: i32) -> (i32, i32, i32) {
    %c0_i32 = arith.constant 0 : i32
    %c0_i32_0 = arith.constant 0 : i32
    %c0_i32_1 = arith.constant 0 : i32
    return %c0_i32, %arg0, %c0_i32_0 : i32, i32, i32
  }
}

module attributes {stable_mosaic.version = 14 : i64} {
  func.func @_tc2_body(%arg0: i32, %arg1: memref<2x512x128xf32, #tpu.memory_space<vmem>>, %arg2: memref<512x512xf32, #tpu.memory_space<vmem>>, %arg3: memref<1x32xf32, #tpu.memory_space<vmem>>, %arg4: memref<32x128xf32, #tpu.memory_space<vmem>>, %arg5: memref<1x128xf32, #tpu.memory_space<vmem>>, %arg6: memref<2048x128xf32, #tpu.memory_space<vmem>>) attributes {dimension_semantics = [#tpu.dimension_semantics<arbitrary>], iteration_bounds = array<i64: 5>, scalar_prefetch = 0 : i64, scratch_operands = 0 : i64, tpu.core_type = #tpu.core_type<tc>, window_params = [{transform_indices = @transform_0, window_bounds = array<i64: 2, 512, 128>}, {transform_indices = @transform_1, window_bounds = array<i64: 512, 512>}, {pipeline_mode = #tpu.pipeline_mode<synchronous>, transform_indices = @transform_2, window_bounds = array<i64: 1, 32>}, {pipeline_mode = #tpu.pipeline_mode<synchronous>, transform_indices = @transform_3, window_bounds = array<i64: 32, 128>}, {pipeline_mode = #tpu.pipeline_mode<synchronous>, transform_indices = @transform_4, window_bounds = array<i64: 1, 128>}, {transform_indices = @transform_5, window_bounds = array<i64: 2048, 128>}]} {
    %get3A = arith.constant 0 : index
    %get3A_0 = arith.constant 0 : index
    %get3A_1 = arith.constant 0 : index
    %get3A_2 = vector.load %arg1[%get3A, %get3A_0, %get3A_1] : memref<2x512x128xf32, #tpu.memory_space<vmem>>, vector<1x512x32xf32>
    %get3A_3 = vector.shape_cast %get3A_2 : vector<1x512x32xf32> to vector<512x32xf32>
    %get3A_4 = arith.constant 1 : index
    %get3A_5 = arith.constant 0 : index
    %get3A_6 = arith.constant 0 : index
    %get3A_7 = vector.load %arg1[%get3A_4, %get3A_5, %get3A_6] : memref<2x512x128xf32, #tpu.memory_space<vmem>>, vector<1x512x32xf32>
    %get3A_8 = vector.shape_cast %get3A_7 : vector<1x512x32xf32> to vector<512x32xf32>
    %add3A = arith.addf %get3A_3, %get3A_8 : vector<512x32xf32>
    %get3A_9 = arith.constant 0 : index
    %get3A_10 = arith.constant 0 : index
    %get3A_11 = vector.load %arg3[%get3A_9, %get3A_10] : memref<1x32xf32, #tpu.memory_space<vmem>>, vector<1x32xf32>
    %add3A_12 = vector.broadcast %get3A_11 : vector<1x32xf32> to vector<512x32xf32>
    %add3A_13 = arith.addf %add3A, %add3A_12 : vector<512x32xf32>
    %max3A = arith.constant 0.000000e+00 : f32
    %max3A_14 = vector.broadcast %max3A : f32 to vector<512x32xf32>
    %max3A_15 = arith.maximumf %add3A_13, %max3A_14 : vector<512x32xf32>
    %get3A_16 = arith.constant 0 : index
    %get3A_17 = arith.constant 0 : index
    %get3A_18 = vector.load %arg4[%get3A_16, %get3A_17] : memref<32x128xf32, #tpu.memory_space<vmem>>, vector<32x128xf32>
    %dot_general3A = arith.constant dense<0.000000e+00> : vector<512x128xf32>
    %dot_general3A_19 = tpu.matmul %max3A_15, %get3A_18, %dot_general3A {dimension_numbers = #tpu.dot_dimension_numbers<[1], [0], [0], [1], [0, 0, 1, 1], [], []>, transpose_lhs_hint = false} : vector<512x32xf32>, vector<32x128xf32>, vector<512x128xf32> -> vector<512x128xf32>
    %get3A_20 = arith.constant 0 : index
    %get3A_21 = arith.constant 0 : index
    %get3A_22 = vector.load %arg5[%get3A_20, %get3A_21] : memref<1x128xf32, #tpu.memory_space<vmem>>, vector<1x128xf32>
    %add3A_23 = vector.broadcast %get3A_22 : vector<1x128xf32> to vector<512x128xf32>
    %add3A_24 = arith.addf %dot_general3A_19, %add3A_23 : vector<512x128xf32>
    %get3A_25 = arith.constant 0 : index
    %get3A_26 = arith.constant 0 : index
    %get3A_27 = vector.load %arg2[%get3A_25, %get3A_26] : memref<512x512xf32, #tpu.memory_space<vmem>>, vector<512x128xf32>
    %add3A_28 = arith.addf %add3A_24, %get3A_27 : vector<512x128xf32>
    %mul3A = arith.constant 5.000000e-01 : f32
    %mul3A_29 = vector.broadcast %mul3A : f32 to vector<512x128xf32>
    %mul3A_30 = arith.mulf %add3A_28, %mul3A_29 : vector<512x128xf32>
    %max3A_31 = arith.constant 0.000000e+00 : f32
    %max3A_32 = vector.broadcast %max3A_31 : f32 to vector<512x128xf32>
    %max3A_33 = arith.maximumf %mul3A_30, %max3A_32 : vector<512x128xf32>
    %get3A_34 = arith.constant 0 : index
    %get3A_35 = arith.constant 0 : index
    %get3A_36 = arith.constant 32 : index
    %get3A_37 = vector.load %arg1[%get3A_34, %get3A_35, %get3A_36] : memref<2x512x128xf32, #tpu.memory_space<vmem>>, vector<1x512x32xf32>
    %get3A_38 = vector.shape_cast %get3A_37 : vector<1x512x32xf32> to vector<512x32xf32>
    %get3A_39 = arith.constant 1 : index
    %get3A_40 = arith.constant 0 : index
    %get3A_41 = arith.constant 32 : index
    %get3A_42 = vector.load %arg1[%get3A_39, %get3A_40, %get3A_41] : memref<2x512x128xf32, #tpu.memory_space<vmem>>, vector<1x512x32xf32>
    %get3A_43 = vector.shape_cast %get3A_42 : vector<1x512x32xf32> to vector<512x32xf32>
    %add3A_44 = arith.addf %get3A_38, %get3A_43 : vector<512x32xf32>
    %get3A_45 = arith.constant 0 : index
    %get3A_46 = arith.constant 0 : index
    %get3A_47 = vector.load %arg3[%get3A_45, %get3A_46] : memref<1x32xf32, #tpu.memory_space<vmem>>, vector<1x32xf32>
    %add3A_48 = vector.broadcast %get3A_47 : vector<1x32xf32> to vector<512x32xf32>
    %add3A_49 = arith.addf %add3A_44, %add3A_48 : vector<512x32xf32>
    %max3A_50 = arith.constant 0.000000e+00 : f32
    %max3A_51 = vector.broadcast %max3A_50 : f32 to vector<512x32xf32>
    %max3A_52 = arith.maximumf %add3A_49, %max3A_51 : vector<512x32xf32>
    %get3A_53 = arith.constant 0 : index
    %get3A_54 = arith.constant 0 : index
    %get3A_55 = vector.load %arg4[%get3A_53, %get3A_54] : memref<32x128xf32, #tpu.memory_space<vmem>>, vector<32x128xf32>
    %dot_general3A_56 = arith.constant dense<0.000000e+00> : vector<512x128xf32>
    %dot_general3A_57 = tpu.matmul %max3A_52, %get3A_55, %dot_general3A_56 {dimension_numbers = #tpu.dot_dimension_numbers<[1], [0], [0], [1], [0, 0, 1, 1], [], []>, transpose_lhs_hint = false} : vector<512x32xf32>, vector<32x128xf32>, vector<512x128xf32> -> vector<512x128xf32>
    %get3A_58 = arith.constant 0 : index
    %get3A_59 = arith.constant 0 : index
    %get3A_60 = vector.load %arg5[%get3A_58, %get3A_59] : memref<1x128xf32, #tpu.memory_space<vmem>>, vector<1x128xf32>
    %add3A_61 = vector.broadcast %get3A_60 : vector<1x128xf32> to vector<512x128xf32>
    %add3A_62 = arith.addf %dot_general3A_57, %add3A_61 : vector<512x128xf32>
    %get3A_63 = arith.constant 0 : index
    %get3A_64 = arith.constant 128 : index
    %get3A_65 = vector.load %arg2[%get3A_63, %get3A_64] : memref<512x512xf32, #tpu.memory_space<vmem>>, vector<512x128xf32>
    %add3A_66 = arith.addf %add3A_62, %get3A_65 : vector<512x128xf32>
    %mul3A_67 = arith.constant 5.000000e-01 : f32
    %mul3A_68 = vector.broadcast %mul3A_67 : f32 to vector<512x128xf32>
    %mul3A_69 = arith.mulf %add3A_66, %mul3A_68 : vector<512x128xf32>
    %max3A_70 = arith.constant 0.000000e+00 : f32
    %max3A_71 = vector.broadcast %max3A_70 : f32 to vector<512x128xf32>
    %max3A_72 = arith.maximumf %mul3A_69, %max3A_71 : vector<512x128xf32>
    %get3A_73 = arith.constant 0 : index
    %get3A_74 = arith.constant 0 : index
    %get3A_75 = arith.constant 64 : index
    %get3A_76 = vector.load %arg1[%get3A_73, %get3A_74, %get3A_75] : memref<2x512x128xf32, #tpu.memory_space<vmem>>, vector<1x512x32xf32>
    %get3A_77 = vector.shape_cast %get3A_76 : vector<1x512x32xf32> to vector<512x32xf32>
    %get3A_78 = arith.constant 1 : index
    %get3A_79 = arith.constant 0 : index
    %get3A_80 = arith.constant 64 : index
    %get3A_81 = vector.load %arg1[%get3A_78, %get3A_79, %get3A_80] : memref<2x512x128xf32, #tpu.memory_space<vmem>>, vector<1x512x32xf32>
    %get3A_82 = vector.shape_cast %get3A_81 : vector<1x512x32xf32> to vector<512x32xf32>
    %add3A_83 = arith.addf %get3A_77, %get3A_82 : vector<512x32xf32>
    %get3A_84 = arith.constant 0 : index
    %get3A_85 = arith.constant 0 : index
    %get3A_86 = vector.load %arg3[%get3A_84, %get3A_85] : memref<1x32xf32, #tpu.memory_space<vmem>>, vector<1x32xf32>
    %add3A_87 = vector.broadcast %get3A_86 : vector<1x32xf32> to vector<512x32xf32>
    %add3A_88 = arith.addf %add3A_83, %add3A_87 : vector<512x32xf32>
    %max3A_89 = arith.constant 0.000000e+00 : f32
    %max3A_90 = vector.broadcast %max3A_89 : f32 to vector<512x32xf32>
    %max3A_91 = arith.maximumf %add3A_88, %max3A_90 : vector<512x32xf32>
    %get3A_92 = arith.constant 0 : index
    %get3A_93 = arith.constant 0 : index
    %get3A_94 = vector.load %arg4[%get3A_92, %get3A_93] : memref<32x128xf32, #tpu.memory_space<vmem>>, vector<32x128xf32>
    %dot_general3A_95 = arith.constant dense<0.000000e+00> : vector<512x128xf32>
    %dot_general3A_96 = tpu.matmul %max3A_91, %get3A_94, %dot_general3A_95 {dimension_numbers = #tpu.dot_dimension_numbers<[1], [0], [0], [1], [0, 0, 1, 1], [], []>, transpose_lhs_hint = false} : vector<512x32xf32>, vector<32x128xf32>, vector<512x128xf32> -> vector<512x128xf32>
    %get3A_97 = arith.constant 0 : index
    %get3A_98 = arith.constant 0 : index
    %get3A_99 = vector.load %arg5[%get3A_97, %get3A_98] : memref<1x128xf32, #tpu.memory_space<vmem>>, vector<1x128xf32>
    %add3A_100 = vector.broadcast %get3A_99 : vector<1x128xf32> to vector<512x128xf32>
    %add3A_101 = arith.addf %dot_general3A_96, %add3A_100 : vector<512x128xf32>
    %get3A_102 = arith.constant 0 : index
    %get3A_103 = arith.constant 256 : index
    %get3A_104 = vector.load %arg2[%get3A_102, %get3A_103] : memref<512x512xf32, #tpu.memory_space<vmem>>, vector<512x128xf32>
    %add3A_105 = arith.addf %add3A_101, %get3A_104 : vector<512x128xf32>
    %mul3A_106 = arith.constant 5.000000e-01 : f32
    %mul3A_107 = vector.broadcast %mul3A_106 : f32 to vector<512x128xf32>
    %mul3A_108 = arith.mulf %add3A_105, %mul3A_107 : vector<512x128xf32>
    %max3A_109 = arith.constant 0.000000e+00 : f32
    %max3A_110 = vector.broadcast %max3A_109 : f32 to vector<512x128xf32>
    %max3A_111 = arith.maximumf %mul3A_108, %max3A_110 : vector<512x128xf32>
    %get3A_112 = arith.constant 0 : index
    %get3A_113 = arith.constant 0 : index
    %get3A_114 = arith.constant 96 : index
    %get3A_115 = vector.load %arg1[%get3A_112, %get3A_113, %get3A_114] : memref<2x512x128xf32, #tpu.memory_space<vmem>>, vector<1x512x32xf32>
    %get3A_116 = vector.shape_cast %get3A_115 : vector<1x512x32xf32> to vector<512x32xf32>
    %get3A_117 = arith.constant 1 : index
    %get3A_118 = arith.constant 0 : index
    %get3A_119 = arith.constant 96 : index
    %get3A_120 = vector.load %arg1[%get3A_117, %get3A_118, %get3A_119] : memref<2x512x128xf32, #tpu.memory_space<vmem>>, vector<1x512x32xf32>
    %get3A_121 = vector.shape_cast %get3A_120 : vector<1x512x32xf32> to vector<512x32xf32>
    %add3A_122 = arith.addf %get3A_116, %get3A_121 : vector<512x32xf32>
    %get3A_123 = arith.constant 0 : index
    %get3A_124 = arith.constant 0 : index
    %get3A_125 = vector.load %arg3[%get3A_123, %get3A_124] : memref<1x32xf32, #tpu.memory_space<vmem>>, vector<1x32xf32>
    %add3A_126 = vector.broadcast %get3A_125 : vector<1x32xf32> to vector<512x32xf32>
    %add3A_127 = arith.addf %add3A_122, %add3A_126 : vector<512x32xf32>
    %max3A_128 = arith.constant 0.000000e+00 : f32
    %max3A_129 = vector.broadcast %max3A_128 : f32 to vector<512x32xf32>
    %max3A_130 = arith.maximumf %add3A_127, %max3A_129 : vector<512x32xf32>
    %get3A_131 = arith.constant 0 : index
    %get3A_132 = arith.constant 0 : index
    %get3A_133 = vector.load %arg4[%get3A_131, %get3A_132] : memref<32x128xf32, #tpu.memory_space<vmem>>, vector<32x128xf32>
    %dot_general3A_134 = arith.constant dense<0.000000e+00> : vector<512x128xf32>
    %dot_general3A_135 = tpu.matmul %max3A_130, %get3A_133, %dot_general3A_134 {dimension_numbers = #tpu.dot_dimension_numbers<[1], [0], [0], [1], [0, 0, 1, 1], [], []>, transpose_lhs_hint = false} : vector<512x32xf32>, vector<32x128xf32>, vector<512x128xf32> -> vector<512x128xf32>
    %get3A_136 = arith.constant 0 : index
    %get3A_137 = arith.constant 0 : index
    %get3A_138 = vector.load %arg5[%get3A_136, %get3A_137] : memref<1x128xf32, #tpu.memory_space<vmem>>, vector<1x128xf32>
    %add3A_139 = vector.broadcast %get3A_138 : vector<1x128xf32> to vector<512x128xf32>
    %add3A_140 = arith.addf %dot_general3A_135, %add3A_139 : vector<512x128xf32>
    %get3A_141 = arith.constant 0 : index
    %get3A_142 = arith.constant 384 : index
    %get3A_143 = vector.load %arg2[%get3A_141, %get3A_142] : memref<512x512xf32, #tpu.memory_space<vmem>>, vector<512x128xf32>
    %add3A_144 = arith.addf %add3A_140, %get3A_143 : vector<512x128xf32>
    %mul3A_145 = arith.constant 5.000000e-01 : f32
    %mul3A_146 = vector.broadcast %mul3A_145 : f32 to vector<512x128xf32>
    %mul3A_147 = arith.mulf %add3A_144, %mul3A_146 : vector<512x128xf32>
    %max3A_148 = arith.constant 0.000000e+00 : f32
    %max3A_149 = vector.broadcast %max3A_148 : f32 to vector<512x128xf32>
    %max3A_150 = arith.maximumf %mul3A_147, %max3A_149 : vector<512x128xf32>
    %concatenate3A = tpu.concatenate %max3A_33, %max3A_72, %max3A_111, %max3A_150 in 1 : vector<512x128xf32>, vector<512x128xf32>, vector<512x128xf32>, vector<512x128xf32> -> vector<512x512xf32>
    %reshape3A = vector.shape_cast %concatenate3A : vector<512x512xf32> to vector<2048x128xf32>
    %swap3A = arith.constant 0 : index
    %swap3A_151 = arith.constant 0 : index
    %swap3A_152 = vector.load %arg6[%swap3A, %swap3A_151] : memref<2048x128xf32, #tpu.memory_space<vmem>>, vector<2048x128xf32>
    tpu.vector_store %arg6[%swap3A, %swap3A_151], %reshape3A {strides = array<i32>} : memref<2048x128xf32, #tpu.memory_space<vmem>>, vector<2048x128xf32>,
    return
  }
  func.func @transform_0(%arg0: i32) -> (i32, i32, i32) {
    %c0_i32 = arith.constant 0 : i32
    %c0_i32_0 = arith.constant 0 : i32
    %c0_i32_1 = arith.constant 0 : i32
    return %c0_i32, %arg0, %c0_i32_0 : i32, i32, i32
  }
  func.func @transform_1(%arg0: i32) -> (i32, i32) {
    %c0_i32 = arith.constant 0 : i32
    %c0_i32_0 = arith.constant 0 : i32
    return %arg0, %c0_i32 : i32, i32
  }
  func.func @transform_2(%arg0: i32) -> (i32, i32) {
    %c0_i32 = arith.constant 0 : i32
    %c0_i32_0 = arith.constant 0 : i32
    %c0_i32_1 = arith.constant 0 : i32
    return %c0_i32, %c0_i32_0 : i32, i32
  }
  func.func @transform_3(%arg0: i32) -> (i32, i32) {
    %c0_i32 = arith.constant 0 : i32
    %c0_i32_0 = arith.constant 0 : i32
    %c0_i32_1 = arith.constant 0 : i32
    return %c0_i32, %c0_i32_0 : i32, i32
  }
  func.func @transform_4(%arg0: i32) -> (i32, i32) {
    %c0_i32 = arith.constant 0 : i32
    %c0_i32_0 = arith.constant 0 : i32
    %c0_i32_1 = arith.constant 0 : i32
    return %c0_i32, %c0_i32_0 : i32, i32
  }
  func.func @transform_5(%arg0: i32) -> (i32, i32) {
    %c0_i32 = arith.constant 0 : i32
    %c0_i32_0 = arith.constant 0 : i32
    return %arg0, %c0_i32 : i32, i32
  }
}

</mosaic_0001>

<sc_bundles>
// kernel: kernel.5.cloned.1.call-start
scs
__scs_entry_jumppad:
0x0: {  	(pc) =	sbr.rel $0x88, $3  }
0x1: {  	(tag) =	ssettag $0x0;
	lr =	simm.s32 $0x1  }
0x2: {  	[smem:$0x3F97] =	sst lr;
	_ =	strace $0xD0000000  }
0x3: {  	_ = 	snop  }
0x4: {  	_ = 	snop  }
0x5: {  	_ = 	snop  }
0x6: {  	_ = 	snop  }
0x7: {  	_ = 	snop  }
__scs_overlays_trampoline_lowered:
0x8: {  	[smem:$0x3FA6] =	sst s0  }
0x9: {  	[smem:$0x3FA7] =	sst s1  }
0xa: {  	[smem:$0x3FA8] =	sst s2  }
0xb: {  	[smem:$0x3FA9] =	sst s3  }
0xc: {  	[smem:$0x3FAA] =	sst s4  }
0xd: {  	[smem:$0x3FAB] =	sst s5  }
0xe: {  	[smem:$0x3FAC] =	sst s6  }
0xf: {  	[smem:$0x3FAD] =	sst s7  }
0x10: {  	[smem:$0x3FAE] =	sst s8  }
0x11: {  	[smem:$0x3FAF] =	sst s9;
	s0 =	simm.s32 @!p0 $0x0  }
0x12: {  	s1 =	sld [smem:$0x3F95];
	s0 =	simm.s32 @p0 $0x1  }
0x13: {  	[smem:$0x3FB0] =	sst s0;
	s0 =	simm.s32 @!p1 $0x0  }
0x14: {  	s2 =	sld [smem:$0x3F94];
	s0 =	simm.s32 @p1 $0x1  }
0x15: {  	[smem:$0x3FB1] =	sst s0;
	s0 =	simm.s32 @!p2 $0x0  }
0x16: {  	s3 =	sld [smem:$0x3FDB];
	s0 =	simm.s32 @p2 $0x1  }
0x17: {  	s4 =	simm.s32 $0x1BF5;
	[smem:$0x3FB3] =	sst s0  }
0x18: {  	s0 =	sld [smem:$0x3F96];
	_ =	swait.ge [sflag:s4], $0x0  }
0x19: {  	s7 =	sld [smem:$0x3F97]  }
0x1a: {  	s8 =	sadd.s32 $0xFFFFE003, lr  }
0x1b: {  	s9 =	sadd.s32 $0xFFFFFEF7, lr;
	s5 =	simm.s32 $0xFFFFFFFF;
	p2 =	slt.u32 s8, $0xFFFFF086  }
0x1c: {  	p1 =	slt.u32 s9, $0xF7A;
	s5 =	simm.s32 @!p2 $0x0  }
0x1d: {  	s5 =	simm.s32 @p1 $0x1;
	p0 =	seq.s32 s7, s2  }
0x1e: {  	s7 =	smul.u32 @!p0 $0xF7A, s2;
	p2 =	seq.s32 @!p0 s5, $0x0  }
0x1f: {  	s9 =	smul.u32 $0xF7A, s1;
	s8 =	simm.s32 @!p0 $0x1BF5;
	p2 =	por !p2, p0  }
0x20: {  	[sflag:s8] =	ssyncset.s32 @!p0 $0xFFFFF086;
	s6 =	sadd.s32 @!p0 s3, s7;
	s7 =	simm.s32 @!p0 $0x108  }
0x21: {  	s3 =	sadd.s32 s3, s9;
	s6 =	sadd.s32 @!p0 $0x88, s6;
	s7 =	simm.s32 @p2 $0x1082  }
0x22: {  	[simem:s7], [sflag:s8] =	dma.local @!p0 [hbm:s6], $0xF7A  }
0x23: {  	s9 =	sor.u32 $0xD0000000, s2;
	s6 =	simm.s32 $0x108;
	_ =	swait.ge @!p0 [sflag:s8], $0x0  }
0x24: {  	s3 =	sadd.s32 $0x88, s3;
	s6 =	simm.s32 @!p1 $0x1082;
	[sflag:s4] =	ssyncset.s32 $0xFFFFF086  }
0x25: {  	[simem:s6], [sflag:s4] =	dma.local [hbm:s3], $0xF7A  }
0x26: {  	[smem:$0x3F97] =	sst s1;
	(tag) =	ssettag s2;
	_ =	strace s9  }
0x27: {  	s1 =	sld [smem:$0x3FA7]  }
0x28: {  	s2 =	sld [smem:$0x3FA8]  }
0x29: {  	s4 =	sld [smem:$0x3FAA]  }
0x2a: {  	p0 =	seq.s32 s5, $0x0;
	s5 =	sld [smem:$0x3FAB]  }
0x2b: {  	s6 =	sld [smem:$0x3FAC]  }
0x2c: {  	s7 =	sld [smem:$0x3FAD]  }
0x2d: {  	s3 =	simm.s32 $0x108;
	s8 =	sld [smem:$0x3FAE]  }
0x2e: {  	s3 =	simm.s32 @!p0 $0x1082;
	s9 =	sld [smem:$0x3FAF]  }
0x2f: {  	lr =	sadd.s32 s0, s3;
	s0 =	sld [smem:$0x3FA6]  }
0x30: {  	s3 =	sld [smem:$0x3FA9]  }
0x31: {  	[smem:$0x3FB2] =	sst s10  }
0x32: {  	s10 =	sld [smem:$0x3FB0];
	_ =	sdelay $0x3  }
0x33: {  	p0 =	seq.s32 s10, $0x1;
	s10 =	sld [smem:$0x3FB2];
	_ =	sdelay $0x3  }
0x34: {  	[smem:$0x3FB2] =	sst s10  }
0x35: {  	s10 =	sld [smem:$0x3FB1];
	_ =	sdelay $0x3  }
0x36: {  	p1 =	seq.s32 s10, $0x1;
	s10 =	sld [smem:$0x3FB2];
	_ =	sdelay $0x3  }
0x37: {  	[smem:$0x3FB2] =	sst s10  }
0x38: {  	s10 =	sld [smem:$0x3FB3]  }
0x39: {  	_ = 	snop;
	(pc) =	sbr.ind lr, $3  }
0x3a: {  	_ = 	snop  }
0x3b: {  	_ = 	snop  }
0x3c: {  	p2 =	seq.s32 s10, $0x1;
	s10 =	sld [smem:$0x3FB2]  }
0x3d: {  	_ =	shalt  }
0x3e: {  	_ =	shalt  }
0x3f: {  	_ =	shalt  }
0x40: {  	_ =	shalt  }
0x41: {  	_ =	shalt  }
0x42: {  	_ =	shalt  }
0x43: {  	_ =	shalt  }
0x44: {  	_ =	shalt  }
0x45: {  	_ =	shalt  }
0x46: {  	_ =	shalt  }
0x47: {  	_ =	shalt  }
0x48: {  	_ =	shalt  }
0x49: {  	_ =	shalt  }
0x4a: {  	_ =	shalt  }
0x4b: {  	_ =	shalt  }
0x4c: {  	_ =	shalt  }
0x4d: {  	_ =	shalt  }
0x4e: {  	_ =	shalt  }
0x4f: {  	_ =	shalt  }
0x50: {  	_ =	shalt  }
0x51: {  	_ =	shalt  }
0x52: {  	_ =	shalt  }
0x53: {  	_ =	shalt  }
0x54: {  	_ =	shalt  }
0x55: {  	_ =	shalt  }
0x56: {  	_ =	shalt  }
0x57: {  	_ =	shalt  }
0x58: {  	_ =	shalt  }
0x59: {  	_ =	shalt  }
0x5a: {  	_ =	shalt  }
0x5b: {  	_ =	shalt  }
0x5c: {  	_ =	shalt  }
0x5d: {  	_ =	shalt  }
0x5e: {  	_ =	shalt  }
0x5f: {  	_ =	shalt  }
0x60: {  	_ =	shalt  }
0x61: {  	_ =	shalt  }
0x62: {  	_ =	shalt  }
0x63: {  	_ =	shalt  }
0x64: {  	_ =	shalt  }
0x65: {  	_ =	shalt  }
0x66: {  	_ =	shalt  }
0x67: {  	_ =	shalt  }
0x68: {  	_ =	shalt  }
0x69: {  	_ =	shalt  }
0x6a: {  	_ =	shalt  }
0x6b: {  	_ =	shalt  }
0x6c: {  	_ =	shalt  }
0x6d: {  	_ =	shalt  }
0x6e: {  	_ =	shalt  }
0x6f: {  	_ =	shalt  }
0x70: {  	_ =	shalt  }
0x71: {  	_ =	shalt  }
0x72: {  	_ =	shalt  }
0x73: {  	_ =	shalt  }
0x74: {  	_ =	shalt  }
0x75: {  	_ =	shalt  }
0x76: {  	_ =	shalt  }
0x77: {  	_ =	shalt  }
0x78: {  	_ =	shalt  }
0x79: {  	_ =	shalt  }
0x7a: {  	_ =	shalt  }
0x7b: {  	_ =	shalt  }
0x7c: {  	_ =	shalt  }
0x7d: {  	_ =	shalt  }
0x7e: {  	_ =	shalt  }
0x7f: {  	_ =	shalt  }
0x80: {  	_ =	shalt  }
0x81: {  	_ =	shalt  }
0x82: {  	_ =	shalt  }
0x83: {  	_ =	shalt  }
0x84: {  	_ =	shalt  }
0x85: {  	_ =	shalt  }
0x86: {  	_ =	shalt  }
0x87: {  	_ =	shalt  }
.Lfunc_end0:
.L_simem_size_0:
called_computation_lowered:
.L_overlay_start_0:
0x88: {  	s2 =	sld [smem:$0x3FD9]  }
0x89: {  	s3 =	sld [smem:$0x3FFE];
	_ =	sdelay $0x1  }
0x8a: {  	s1 =	srdreg.scid  }
0x8b: {  	s0 =	sand.u32 $0x1, s1  }
0x8c: {  	s17 =	sshll.u32 s0, $0xA;
	s2 =	sadd.s32 s3, s2  }
0x8d: {  	s2 =	sadd.s32 s2, s17  }
0x8e: {  	[smem:$0x3FBE] =	sst s2  }
0x8f: {  	_ = 	snop  }
0x90: {  	s2 =	sld [smem:$0x3FD0];
	(tm) =	ssettm $0x1  }
0x91: {  	s18 =	sld [smem:$0x3FFB];
	_ =	sdelay $0x3  }
0x92: {  	_ =	strace s18  }
0x93: {  	s3 =	sld [smem:$0x3FFC];
	_ =	sdelay $0x3  }
0x94: {  	_ =	strace s3  }
0x95: {  	s3 =	sld [smem:$0x3FFD];
	_ =	sdelay $0x3  }
0x96: {  	_ =	strace s3  }
0x97: {  	_ =	strace $0x8FFFFFFF  }
0x98: {  	s19 =	sld [smem:$0x3FDB];
	_ =	sdelay $0x1  }
0x99: {  	s4 =	simm.s32 $_scs_section_size  }
0x9a: {  	s5 =	simm.s32 $_size__tile_overlayer_lowered;
	s6 =	simm.s32 $_tile_overlayer_lowered  }
0x9b: {  	s22 =	simm.s32 $0x1BFF;
	s21 =	sshll.u32 s6, $0x1;
	s3 =	sadd.s32 s4, s19  }
0x9c: {  	s7 =	simm.s32 $0x0;
	s20 =	sshll.u32 s5, $0x1;
	s5 =	sadd.s32 s21, s3  }
0x9d: {  	[timem:s7], [sflag:s22] =	dma.local [hbm:s5], s20  }
0x9e: {  	_ =	swait.ge [sflag:s22], s20  }
0x9f: {  	s4 =	ssub.s32 $0x0, s20;
	[sflag:s22] =	ssyncset.done $0x0  }
0xa0: {  	[sflag:s22] =	ssyncadd.s32 s4;
	_ =	sdelay $0x1  }
0xa1: {  	s23 =	simm.s32 $0x1B8B  }
0xa2: {  	_ =	swait.ge [sflag:s23], $0x1  }
0xa3: {  	[sflag:s23] =	ssyncset.done $0x0  }
0xa4: {  	s25 =	simm.s32 $0x1B8E;
	s24 =	sld [smem:$0x3FFE];
	[sflag:s23] =	ssyncadd.s32 $0xFFFFFFFF  }
0xa5: {  	s26 =	simm.s32 $execute0_lowered;
	[smem:$0x3FD2] =	sst s25  }
0xa6: {  	s5 =	sshll.u32 s26, $0x1;
	_ =	strace $0x80000046;
	[dreg:$0x1] =	wrdreg $0xFFFFFFFF  }
0xa7: {  	s28 =	simm.s32 $_size_execute0_lowered;
	s3 =	sadd.s32 s3, s5;
	[dreg:$0x0] =	wrdreg $0x0  }
0xa8: {  	s5 =	sshll.u32 s28, $0x1;
	[dreg:$0x2] =	wrdreg s3  }
0xa9: {  	[dreg:$0x3] =	wrdreg s5  }
0xaa: {  	[dreg:$0x4] =	wrdreg $0xC0  }
0xab: {  	_ =	task [dreg:s7], $0x5FFFF  }
0xac: {  	[dreg:$0x1] =	wrdreg $0xFFFFFFFF  }
0xad: {  	[dreg:$0x0] =	wrdreg $0x60  }
0xae: {  	[dreg:$0x2] =	wrdreg s24  }
0xaf: {  	[dreg:$0x3] =	wrdreg s2  }
0xb0: {  	[dreg:$0x4] =	wrdreg $0xD8000  }
0xb1: {  	[dreg:$0x5] =	wrdreg $0x9  }
0xb2: {  	_ =	task.clear_ibuf [dreg:s7], $0x6FFFF;
	_ =	strace $0x90000046  }
0xb3: {  	s29 =	simm.s32 $0x9;
	_ =	strace $0x80000048  }
0xb4: {  	_ =	swait.ge [sflag:s29], $0x1  }
0xb5: {  	[sflag:s29] =	ssyncadd.s32 $0xFFFFFFFF  }
0xb6: {  	_ =	strace $0x90000048  }
0xb7: {  	_ =	sfence  }
0xb8: {  	s30 =	sld [smem:$0x0];
	_ =	sdelay $0x2  }
0xb9: {  	s31 =	sshll.u32 s1, $0xD;
	s1 =	sshrl.u32 s1, $0x2  }
0xba: {  	s3 =	sand.u32 $0x4000, s31;
	s1 =	sadd.s32 s1, s30  }
0xbb: {  	s0 =	sor.u32 s3, s0;
	s1 =	sshll.u32 s1, $0x11  }
0xbc: {  	s0 =	sor.u32 s1, s0  }
0xbd: {  	s0 =	sadd.s32 $0x8F2B, s0  }
0xbe: {  	[sflag:s0] =	ssyncadd.remote.s32 $0x1  }
0xbf: {  	_ =	sfence.sel $0xFFFF  }
0xc0: {  	[dreg:$0x0] =	wrdreg $0xFFFFFFFF;
	(pc) =	sbr.abs _section_cstart, $3  }
0xc1: {  	[dreg:$0x1] =	wrdreg $0xFFFFFFFF  }
0xc2: {  	_ =	task.clear_ibuf [dreg:s7], $0x2FFFF;
	_ =	strace $0x9FFFFFFF  }
0xc3: {  	(tm) =	ssettm $0x7FFFFFFF  }
tec
execute0_lowered:
.L_overlay_start_1:
0x0: {  	(tag) =	ssettag $0x1  }
0x1: {  	s0 =	rddreg [dreg:$0x0]  }
0x2: {  	s1 =	srdreg.scid;
	s5 =	rddreg [dreg:$0x1]  }
0x3: {  	s2 =	rddreg [dreg:$0x2];
	s9 =	stileid.u32  }
0x4: {  	s3 =	simm.s32 $0x0;
	s31 =	simm.s32 $0x7000;
	s8 =	smul.u32 $0x14000, s9  }
0x5: {  	s30 =	simm.s32 $0xB000;
	s28 =	simm.s32 $0x3;
	s29 =	simm.s32 $0x5  }
0x6: {  	s1 =	sand.u32 $0x1, s1;
	[smem:$0x7FF] =	sst s3;
	s16 =	sshrl.u32 s8, $0x2  }
0x7: {  	s18 =	smul.u32 $0xA00, s9;
	s4 =	sshll.u32 s1, $0x4;
	s8 =	sadd.s32 s16, s2  }
0x8: {  	_ =	strace $0x80000047;
	s7 =	ssub.s32 $0x2, s1;
	s19 =	sadd.s32 $0x1000, s8  }
0x9: {  	s1 =	smul.u32 $0xA000, s1;
	s20 =	sadd.s32 $0x1800, s8;
	[dreg:$0x8] =	wrdreg s19  }
0xa: {  	s4 =	sor.u32 s9, s4;
	s21 =	sadd.s32 $0x2000, s8;
	[dreg:$0x9] =	wrdreg s20  }
0xb: {  	s14 =	sshrl.u32 s7, $0x1;
	s22 =	sadd.s32 $0x2800, s8;
	[dreg:$0xa] =	wrdreg s21  }
0xc: {  	s6 =	smul.u32 $0x280, s4;
	s23 =	sadd.s32 $0x3000, s8;
	[dreg:$0xb] =	wrdreg s22  }
0xd: {  	s4 =	sadd.s32 $0x10000, s0;
	s24 =	sadd.s32 $0x3800, s8;
	[dreg:$0xc] =	wrdreg s23  }
0xe: {  	s25 =	sadd.s32 $0x4000, s8;
	s26 =	sadd.s32 $0x4800, s8;
	[dreg:$0xd] =	wrdreg s24  }
0xf: {  	s0 =	sadd.s32 s6, s0;
	s6 =	ssub.s32 s7, s14;
	[dreg:$0xe] =	wrdreg s25  }
0x10: {  	s7 =	sadd.s32 $0x800, s8;
	[dreg:$0xf] =	wrdreg s26;
	s22 =	simm.s32 $0x9  }
0x11: {  	s23 =	simm.s32 $0xD000;
	s24 =	simm.s32 $0x80;
	s26 =	simm.s32 $0x5000  }
0x12: {  	s20 =	simm.s32 $0xC000;
	s21 =	simm.s32 $0x1;
	s25 =	simm.s32 $0xA  }
.Ltmp0:
0x13: {  	s15 =	sadd.s32 $0x6000, s0;
	[dreg:$0x7] =	wrdreg s7;
	(pc) =	sbr.rel .LBB2_1-.Ltmp0, $4  }
0x14: {  	s17 =	sadd.s32 $0xB000, s0;
	s0 =	sadd.s32 $0x1000, s0;
	[dreg:$0x4] =	wrdreg s15  }
0x15: {  	s19 =	smax.u32 s6, $0x1;
	s6 =	simm.s32 $0x0;
	[dreg:$0x5] =	wrdreg s17  }
0x16: {  	[dreg:$0x6] =	wrdreg s0;
	s0 =	sadd.s32 s18, s1;
	s1 =	simm.s32 $0x9000  }
0x17: {  	v0 =	vimm.f32 $0.0e+00;
	s18 =	sadd.s32 s5, s0;
	s0 =	simm.s32 $0x7;
	s5 =	simm.s32 $0x8  }
.LBB2_8:
0x18: {  	_ =	swait.ge [sflag:s5], $0x1000  }
0x19: {  	[sflag:s5] =	ssyncset.done $0x0  }
0x1a: {  	[sflag:s5] =	ssyncadd.s32 $0xFFFFF000  }
0x1b: {  	[spmem:s2] =	stream.indirect.scatter.add.f32 [tilespmem:s20], [sflag:$0xA], $0x20, s10, s24, $0xb8;
	[tilespmem:$0x12800] =	vst v63  }
0x1c: {  	s7 =	stileid.u32;
	_ =	swait.ge [sflag:s25], $0x1000  }
0x1d: {  	s9 =	sshrl.u32 s8, $0x3;
	s6 =	sadd.s32 $0x1, s6;
	[sflag:s25] =	ssyncset.done $0x0  }
0x1e: {  	s7 =	sshll.u32 s7, $0x6;
	p0 =	sne.s32 s6, s19;
	[sflag:s25] =	ssyncadd.s32 $0xFFFFF000  }
.Ltmp1:
0x1f: {  	s7 =	sor.u32 $0x1C0A, s7;
	[bflag:$0x0] =	sbarrier.arrive $0xFFFF;
	(pc) =	sbr.rel @!p0 .LBB2_9-.Ltmp1, $4  }
0x20: {  	[hbm:s18], [sflag:s7] =	dma.local [spmem:s9], $0xA00  }
0x21: {  	_ =	swait.ge [sflag:s25], $0xA00  }
0x22: {  	[sflag:s25] =	ssyncset.done $0x0  }
0x23: {  	[sflag:s25] =	ssyncadd.s32 $0xFFFFF600  }
.LBB2_1:
0x24: {  	s7 =	rddreg [dreg:$0x4]  }
0x25: {  	s15 =	rddreg [dreg:$0x5]  }
0x26: {  	[tilespmem:s3], [sflag:$0x9] =	stream.linear.gather [hbm4b:s7+s3], $0x1400, $0x38;
	[tilespmem:$0x12800] =	vst v63  }
0x27: {  	s9 =	simm.s32 $0x1400;
	s16 =	rddreg [dreg:$0x6]  }
0x28: {  	[tilespmem:s9], [sflag:$0x9] =	stream.linear.gather [hbm4b:s15+s3], $0x1400, $0x38;
	[tilespmem:$0x12800] =	vst v63  }
0x29: {  	s17 =	simm.s32 $0x3C00;
	s7 =	simm.s32 $0x80;
	s9 =	simm.s32 $0x0  }
0x2a: {  	[tilespmem:s17], [sflag:$0x9] =	stream.linear.gather [hbm4b:s16+s3], $0x1400, $0x38;
	[tilespmem:$0x12800] =	vst v63  }
.LBB2_2:
0x2b: {  	p0 =	sne.s32 s7, $0x1F80;
	[tilespmem:s9+$0xD000] =	vst v0;
	s10 =	smov.u32 s7;
	s7 =	sadd.s32 $0x80, s7  }
.Ltmp2:
0x2c: {  	[tilespmem:s9+$0xD010] =	vst v0;
	(pc) =	sbr.rel @p0 .LBB2_2-.Ltmp2, $2  }
0x2d: {  	_ =	sdelay $0x2  }
0x2e: {  	s9 =	sshra.s32 s10, $0x2  }
0x2f: {  	[tilespmem:s9+$0xD000] =	vst v0  }
0x30: {  	[tilespmem:s9+$0xD010] =	vst v0  }
0x31: {  	_ =	swait.ge [sflag:s22], $0x1400  }
0x32: {  	[sflag:s22] =	ssyncset.done $0x0  }
0x33: {  	[sflag:s22] =	ssyncadd.s32 $0xFFFFEC00  }
0x34: {  	_ =	swait.ge [sflag:s22], $0x1400  }
0x35: {  	[sflag:s22] =	ssyncset.done $0x0  }
0x36: {  	[sflag:s22] =	ssyncadd.s32 $0xFFFFEC00  }
0x37: {  	_ =	swait.ge [sflag:s22], $0x1400  }
0x38: {  	[sflag:s22] =	ssyncset.done $0x0  }
0x39: {  	[sflag:s22] =	ssyncadd.s32 $0xFFFFEC00  }
0x3a: {  	[spmem:s8] =	stream.linear.scatter [tilespmem:s23], [sflag:$0x9], $0x800, $0x38;
	[tilespmem:$0x12800] =	vst v63  }
0x3b: {  	s7 =	rddreg [dreg:$0x7]  }
0x3c: {  	[spmem:s7] =	stream.linear.scatter [tilespmem:s23], [sflag:$0x9], $0x800, $0x38;
	[tilespmem:$0x12800] =	vst v63  }
0x3d: {  	s10 =	rddreg [dreg:$0x8]  }
0x3e: {  	[spmem:s10] =	stream.linear.scatter [tilespmem:s23], [sflag:$0x9], $0x800, $0x38;
	[tilespmem:$0x12800] =	vst v63  }
0x3f: {  	s11 =	rddreg [dreg:$0x9]  }
0x40: {  	[spmem:s11] =	stream.linear.scatter [tilespmem:s23], [sflag:$0x9], $0x800, $0x38;
	[tilespmem:$0x12800] =	vst v63  }
0x41: {  	s12 =	rddreg [dreg:$0xa]  }
0x42: {  	[spmem:s12] =	stream.linear.scatter [tilespmem:s23], [sflag:$0x9], $0x800, $0x38;
	[tilespmem:$0x12800] =	vst v63  }
0x43: {  	s13 =	rddreg [dreg:$0xb]  }
0x44: {  	[spmem:s13] =	stream.linear.scatter [tilespmem:s23], [sflag:$0x9], $0x800, $0x38;
	[tilespmem:$0x12800] =	vst v63  }
0x45: {  	s14 =	rddreg [dreg:$0xc]  }
0x46: {  	[spmem:s14] =	stream.linear.scatter [tilespmem:s23], [sflag:$0x9], $0x800, $0x38;
	[tilespmem:$0x12800] =	vst v63  }
0x47: {  	s15 =	rddreg [dreg:$0xd]  }
0x48: {  	[spmem:s15] =	stream.linear.scatter [tilespmem:s23], [sflag:$0x9], $0x800, $0x38;
	[tilespmem:$0x12800] =	vst v63  }
0x49: {  	s16 =	rddreg [dreg:$0xe]  }
0x4a: {  	[spmem:s16] =	stream.linear.scatter [tilespmem:s23], [sflag:$0x9], $0x800, $0x38;
	[tilespmem:$0x12800] =	vst v63  }
0x4b: {  	s17 =	rddreg [dreg:$0xf];
	s7 =	simm.s32 $0x0  }
0x4c: {  	[spmem:s17] =	stream.linear.scatter [tilespmem:s23], [sflag:$0x9], $0x800, $0x38;
	[tilespmem:$0x12800] =	vst v63  }
0x4d: {  	v1 =	vld [tilespmem:s7+$0x1400];
	_ =	sdelay $0x1  }
0x4e: {  	v2 =	vld [tilespmem:s7+$0x0];
	_ =	sdelay $0x1  }
0x4f: {  	s9 =	simm.s32 $0x40  }
.LBB2_4:
0x50: {  	s10 =	sshra.s32 s9, $0x2;
	p0 =	sne.s32 s9, $0x4FC0;
	s9 =	sadd.s32 $0x40, s9;
	v3 =	vshrl.u32 v1, $0x2;
	v4 =	vmov v1  }
.Ltmp3:
0x51: {  	v1 =	vld [tilespmem:s10+$0x1400];
	v3 =	vmul.u32 $0x9C40, v3;
	(pc) =	sbr.rel @p0 .LBB2_4-.Ltmp3, $4  }
0x52: {  	v5 =	vshll.u32 v2, $0x2  }
0x53: {  	v4 =	vand.u32 $0x3, v4;
	v2 =	vld [tilespmem:s10+$0x0];
	v3 =	vadd.s32 v5, v3  }
0x54: {  	v3 =	vor.u32 v4, v3  }
0x55: {  	[tilespmem:s7+$0x2800] =	vst v3;
	s7 =	smov.u32 s10  }
0x56: {  	v3 =	vshrl.u32 v1, $0x2  }
0x57: {  	v3 =	vmul.u32 $0x9C40, v3  }
0x58: {  	v2 =	vshll.u32 v2, $0x2  }
0x59: {  	v1 =	vand.u32 $0x3, v1;
	v2 =	vadd.s32 v2, v3  }
0x5a: {  	v1 =	vor.u32 v1, v2  }
0x5b: {  	s16 =	simm.s32 $0x2800;
	[tilespmem:s7+$0x2800] =	vst v1  }
0x5c: {  	[tilespmem:s26], [sflag:$0x1] =	stream.indirect.gather [hbm4b:s4+s24], $0x20, s16, s24, $0xb8;
	[tilespmem:$0x12800] =	vst v63  }
0x5d: {  	s17 =	simm.s32 $0x2880;
	s9 =	simm.s32 $0x6000  }
0x5e: {  	[tilespmem:s9], [sflag:$0x2] =	stream.indirect.gather [hbm4b:s4+s24], $0x20, s17, s24, $0xb8;
	[tilespmem:$0x12800] =	vst v63  }
0x5f: {  	s10 =	simm.s32 $0x2900  }
0x60: {  	[tilespmem:s31], [sflag:$0x3] =	stream.indirect.gather [hbm4b:s4+s24], $0x20, s10, s24, $0xb8;
	[tilespmem:$0x12800] =	vst v63  }
0x61: {  	s11 =	simm.s32 $0x2980;
	s12 =	simm.s32 $0x8000  }
0x62: {  	[tilespmem:s12], [sflag:$0x4] =	stream.indirect.gather [hbm4b:s4+s24], $0x20, s11, s24, $0xb8;
	[tilespmem:$0x12800] =	vst v63  }
0x63: {  	s13 =	simm.s32 $0x2A00  }
0x64: {  	[tilespmem:s1], [sflag:$0x5] =	stream.indirect.gather [hbm4b:s4+s24], $0x20, s13, s24, $0xb8;
	[tilespmem:$0x12800] =	vst v63  }
0x65: {  	s14 =	simm.s32 $0x2A80;
	s15 =	simm.s32 $0xA000  }
0x66: {  	[tilespmem:s15], [sflag:$0x6] =	stream.indirect.gather [hbm4b:s4+s24], $0x20, s14, s24, $0xb8;
	[tilespmem:$0x12800] =	vst v63  }
0x67: {  	s16 =	simm.s32 $0x2B00  }
0x68: {  	[tilespmem:s30], [sflag:$0x7] =	stream.indirect.gather [hbm4b:s4+s24], $0x20, s16, s24, $0xb8;
	[tilespmem:$0x12800] =	vst v63  }
0x69: {  	s17 =	simm.s32 $0x2B80  }
0x6a: {  	[tilespmem:s20], [sflag:$0x8] =	stream.indirect.gather [hbm4b:s4+s24], $0x20, s17, s24, $0xb8;
	[tilespmem:$0x12800] =	vst v63  }
0x6b: {  	_ =	swait.ge [sflag:s22], $0x800  }
0x6c: {  	[sflag:s22] =	ssyncset.done $0x0  }
0x6d: {  	[sflag:s22] =	ssyncadd.s32 $0xFFFFF800  }
0x6e: {  	_ =	swait.ge [sflag:s22], $0x800  }
0x6f: {  	[sflag:s22] =	ssyncset.done $0x0  }
0x70: {  	[sflag:s22] =	ssyncadd.s32 $0xFFFFF800  }
0x71: {  	_ =	swait.ge [sflag:s22], $0x800  }
0x72: {  	[sflag:s22] =	ssyncset.done $0x0  }
0x73: {  	[sflag:s22] =	ssyncadd.s32 $0xFFFFF800  }
0x74: {  	_ =	swait.ge [sflag:s22], $0x800  }
0x75: {  	[sflag:s22] =	ssyncset.done $0x0  }
0x76: {  	[sflag:s22] =	ssyncadd.s32 $0xFFFFF800  }
0x77: {  	_ =	swait.ge [sflag:s22], $0x800  }
0x78: {  	[sflag:s22] =	ssyncset.done $0x0  }
0x79: {  	[sflag:s22] =	ssyncadd.s32 $0xFFFFF800  }
0x7a: {  	_ =	swait.ge [sflag:s22], $0x800  }
0x7b: {  	[sflag:s22] =	ssyncset.done $0x0  }
0x7c: {  	[sflag:s22] =	ssyncadd.s32 $0xFFFFF800  }
0x7d: {  	_ =	swait.ge [sflag:s22], $0x800  }
0x7e: {  	[sflag:s22] =	ssyncset.done $0x0  }
0x7f: {  	[sflag:s22] =	ssyncadd.s32 $0xFFFFF800  }
0x80: {  	_ =	swait.ge [sflag:s22], $0x800  }
0x81: {  	[sflag:s22] =	ssyncset.done $0x0  }
0x82: {  	[sflag:s22] =	ssyncadd.s32 $0xFFFFF800  }
0x83: {  	_ =	swait.ge [sflag:s22], $0x800  }
0x84: {  	[sflag:s22] =	ssyncset.done $0x0  }
0x85: {  	[sflag:s22] =	ssyncadd.s32 $0xFFFFF800  }
0x86: {  	_ =	swait.ge [sflag:s22], $0x800  }
0x87: {  	[sflag:s22] =	ssyncset.done $0x0  }
0x88: {  	[sflag:s22] =	ssyncadd.s32 $0xFFFFF800  }
0x89: {  	s7 =	simm.s32 $0x0;
	[bflag:$0x0] =	sbarrier.arrive $0xFFFF  }
.LBB2_6:
0x8a: {  	_ =	swait.ge [sflag:s21], $0x1000  }
0x8b: {  	s9 =	sshra.s32 s7, $0x2;
	[sflag:s21] =	ssyncset.done $0x0  }
0x8c: {  	s10 =	sadd.s32 $0x3C00, s9;
	[sflag:s21] =	ssyncadd.s32 $0xFFFFF000  }
0x8d: {  	[spmem:s2] =	stream.indirect.scatter.add.f32 [tilespmem:s26], [sflag:$0xA], $0x20, s10, s24, $0xb8;
	[tilespmem:$0x12800] =	vst v63  }
0x8e: {  	_ =	swait.ge [sflag:s25], $0x1000  }
0x8f: {  	p0 =	seq.s32 s7, $0x4000;
	[sflag:s25] =	ssyncset.done $0x0  }
0x90: {  	s10 =	simm.s32 @p0 $0x2;
	[sflag:s25] =	ssyncadd.s32 $0xFFFFF000  }
0x91: {  	s12 =	sshra.s32 @p0 s7, $0x2;
	_ =	swait.ge @p0 [sflag:s10], $0x1000  }
0x92: {  	s13 =	simm.s32 @p0 $0x80;
	s11 =	simm.s32 @p0 $0x6000;
	[sflag:s10] =	ssyncset.done @p0 $0x0  }
0x93: {  	s14 =	simm.s32 @p0 $0xA;
	[sflag:s10] =	ssyncadd.s32 @p0 $0xFFFFF000;
	s10 =	sadd.s32 @p0 $0x3C80, s12  }
0x94: {  	[spmem:s2] =	stream.indirect.scatter.add.f32 @p0 [tilespmem:s11], [sflag:$0xA], $0x20, s10, s13, $0xb8;
	[tilespmem:$0x12800] =	vst v63  }
0x95: {  	_ =	swait.ge @p0 [sflag:s14], $0x1000  }
0x96: {  	s16 =	simm.s32 @!p0 $0x5000;
	s10 =	sshra.s32 @!p0 s7, $0x2;
	[sflag:s14] =	ssyncset.done @p0 $0x0  }
0x97: {  	s11 =	simm.s32 @!p0 $0x80;
	s15 =	sadd.s32 @!p0 $0x2C00, s10;
	[sflag:s14] =	ssyncadd.s32 @p0 $0xFFFFF000  }
0x98: {  	[tilespmem:s16], [sflag:$0x1] =	stream.indirect.gather @!p0 [hbm4b:s4+s11], $0x20, s15, s11, $0xb8;
	[tilespmem:$0x12800] =	vst v63  }
0x99: {  	s15 =	simm.s32 @!p0 $0x2  }
0x9a: {  	_ =	swait.ge @!p0 [sflag:s15], $0x1000  }
0x9b: {  	[sflag:s15] =	ssyncset.done @!p0 $0x0  }
0x9c: {  	s16 =	simm.s32 @!p0 $0x6000;
	[sflag:s15] =	ssyncadd.s32 @!p0 $0xFFFFF000;
	s15 =	sadd.s32 @!p0 $0x3C80, s10  }
0x9d: {  	[spmem:s2] =	stream.indirect.scatter.add.f32 @!p0 [tilespmem:s16], [sflag:$0xA], $0x20, s15, s11, $0xb8;
	[tilespmem:$0x12800] =	vst v63  }
0x9e: {  	s15 =	simm.s32 @!p0 $0xA  }
0x9f: {  	_ =	swait.ge @!p0 [sflag:s15], $0x1000  }
0xa0: {  	[sflag:s15] =	ssyncset.done @!p0 $0x0  }
0xa1: {  	s17 =	sadd.s32 @!p0 $0x2C80, s10;
	[sflag:s15] =	ssyncadd.s32 @!p0 $0xFFFFF000  }
0xa2: {  	[tilespmem:s16], [sflag:$0x2] =	stream.indirect.gather @!p0 [hbm4b:s4+s11], $0x20, s17, s11, $0xb8;
	[tilespmem:$0x12800] =	vst v63  }
0xa3: {  	_ =	swait.ge [sflag:s28], $0x1000  }
0xa4: {  	[sflag:s28] =	ssyncset.done $0x0  }
0xa5: {  	s17 =	sadd.s32 $0x3D00, s9;
	[sflag:s28] =	ssyncadd.s32 $0xFFFFF000  }
0xa6: {  	[spmem:s2] =	stream.indirect.scatter.add.f32 [tilespmem:s31], [sflag:$0xA], $0x20, s17, s24, $0xb8;
	[tilespmem:$0x12800] =	vst v63  }
0xa7: {  	_ =	swait.ge [sflag:s25], $0x1000  }
0xa8: {  	[sflag:s25] =	ssyncset.done $0x0  }
0xa9: {  	s16 =	simm.s32 @p0 $0x4;
	[sflag:s25] =	ssyncadd.s32 $0xFFFFF000  }
0xaa: {  	_ =	swait.ge @p0 [sflag:s16], $0x1000  }
0xab: {  	[sflag:s16] =	ssyncset.done @p0 $0x0  }
0xac: {  	s17 =	simm.s32 @p0 $0x8000;
	[sflag:s16] =	ssyncadd.s32 @p0 $0xFFFFF000;
	s16 =	sadd.s32 @p0 $0x3D80, s12  }
0xad: {  	[spmem:s2] =	stream.indirect.scatter.add.f32 @p0 [tilespmem:s17], [sflag:$0xA], $0x20, s16, s13, $0xb8;
	[tilespmem:$0x12800] =	vst v63  }
0xae: {  	_ =	swait.ge @p0 [sflag:s14], $0x1000  }
0xaf: {  	[sflag:s14] =	ssyncset.done @p0 $0x0  }
0xb0: {  	s16 =	sadd.s32 @!p0 $0x2D00, s10;
	s17 =	simm.s32 @!p0 $0x7000;
	[sflag:s14] =	ssyncadd.s32 @p0 $0xFFFFF000  }
0xb1: {  	[tilespmem:s17], [sflag:$0x3] =	stream.indirect.gather @!p0 [hbm4b:s4+s11], $0x20, s16, s11, $0xb8;
	[tilespmem:$0x12800] =	vst v63  }
0xb2: {  	s16 =	simm.s32 @!p0 $0x4  }
0xb3: {  	_ =	swait.ge @!p0 [sflag:s16], $0x1000  }
0xb4: {  	[sflag:s16] =	ssyncset.done @!p0 $0x0  }
0xb5: {  	s17 =	simm.s32 @!p0 $0x8000;
	[sflag:s16] =	ssyncadd.s32 @!p0 $0xFFFFF000;
	s16 =	sadd.s32 @!p0 $0x3D80, s10  }
0xb6: {  	[spmem:s2] =	stream.indirect.scatter.add.f32 @!p0 [tilespmem:s17], [sflag:$0xA], $0x20, s16, s11, $0xb8;
	[tilespmem:$0x12800] =	vst v63  }
0xb7: {  	_ =	swait.ge @!p0 [sflag:s15], $0x1000  }
0xb8: {  	[sflag:s15] =	ssyncset.done @!p0 $0x0  }
0xb9: {  	s16 =	sadd.s32 @!p0 $0x2D80, s10;
	[sflag:s15] =	ssyncadd.s32 @!p0 $0xFFFFF000  }
0xba: {  	[tilespmem:s17], [sflag:$0x4] =	stream.indirect.gather @!p0 [hbm4b:s4+s11], $0x20, s16, s11, $0xb8;
	[tilespmem:$0x12800] =	vst v63  }
0xbb: {  	_ =	swait.ge [sflag:s29], $0x1000  }
0xbc: {  	[sflag:s29] =	ssyncset.done $0x0  }
0xbd: {  	s17 =	sadd.s32 $0x3E00, s9;
	[sflag:s29] =	ssyncadd.s32 $0xFFFFF000  }
0xbe: {  	[spmem:s2] =	stream.indirect.scatter.add.f32 [tilespmem:s1], [sflag:$0xA], $0x20, s17, s24, $0xb8;
	[tilespmem:$0x12800] =	vst v63  }
0xbf: {  	_ =	swait.ge [sflag:s25], $0x1000  }
0xc0: {  	[sflag:s25] =	ssyncset.done $0x0  }
0xc1: {  	s16 =	simm.s32 @p0 $0x6;
	[sflag:s25] =	ssyncadd.s32 $0xFFFFF000  }
0xc2: {  	_ =	swait.ge @p0 [sflag:s16], $0x1000  }
0xc3: {  	[sflag:s16] =	ssyncset.done @p0 $0x0  }
0xc4: {  	s12 =	sadd.s32 @p0 $0x3E80, s12;
	[sflag:s16] =	ssyncadd.s32 @p0 $0xFFFFF000;
	s16 =	simm.s32 @p0 $0xA000  }
0xc5: {  	[spmem:s2] =	stream.indirect.scatter.add.f32 @p0 [tilespmem:s16], [sflag:$0xA], $0x20, s12, s13, $0xb8;
	[tilespmem:$0x12800] =	vst v63  }
0xc6: {  	_ =	swait.ge @p0 [sflag:s14], $0x1000  }
0xc7: {  	[sflag:s14] =	ssyncset.done @p0 $0x0  }
0xc8: {  	s12 =	sadd.s32 @!p0 $0x2E00, s10;
	s13 =	simm.s32 @!p0 $0x9000;
	[sflag:s14] =	ssyncadd.s32 @p0 $0xFFFFF000  }
0xc9: {  	[tilespmem:s13], [sflag:$0x5] =	stream.indirect.gather @!p0 [hbm4b:s4+s11], $0x20, s12, s11, $0xb8;
	[tilespmem:$0x12800] =	vst v63  }
0xca: {  	s12 =	simm.s32 @!p0 $0x6  }
0xcb: {  	_ =	swait.ge @!p0 [sflag:s12], $0x1000  }
0xcc: {  	[sflag:s12] =	ssyncset.done @!p0 $0x0  }
0xcd: {  	s13 =	simm.s32 @!p0 $0xA000;
	[sflag:s12] =	ssyncadd.s32 @!p0 $0xFFFFF000;
	s12 =	sadd.s32 @!p0 $0x3E80, s10  }
0xce: {  	[spmem:s2] =	stream.indirect.scatter.add.f32 @!p0 [tilespmem:s13], [sflag:$0xA], $0x20, s12, s11, $0xb8;
	[tilespmem:$0x12800] =	vst v63  }
0xcf: {  	_ =	swait.ge @!p0 [sflag:s15], $0x1000  }
0xd0: {  	[sflag:s15] =	ssyncset.done @!p0 $0x0  }
0xd1: {  	s10 =	sadd.s32 @!p0 $0x2E80, s10;
	[sflag:s15] =	ssyncadd.s32 @!p0 $0xFFFFF000  }
0xd2: {  	[tilespmem:s13], [sflag:$0x6] =	stream.indirect.gather @!p0 [hbm4b:s4+s11], $0x20, s10, s11, $0xb8;
	[tilespmem:$0x12800] =	vst v63  }
0xd3: {  	_ =	swait.ge [sflag:s0], $0x1000  }
0xd4: {  	[sflag:s0] =	ssyncset.done $0x0  }
.Ltmp4:
0xd5: {  	s17 =	sadd.s32 $0x3F00, s9;
	[sflag:s0] =	ssyncadd.s32 $0xFFFFF000;
	(pc) =	sbr.rel @p0 .LBB2_8-.Ltmp4, $4  }
0xd6: {  	[spmem:s2] =	stream.indirect.scatter.add.f32 [tilespmem:s30], [sflag:$0xA], $0x20, s17, s24, $0xb8;
	[tilespmem:$0x12800] =	vst v63  }
0xd7: {  	_ =	swait.ge [sflag:s25], $0x1000  }
0xd8: {  	[sflag:s25] =	ssyncset.done $0x0  }
0xd9: {  	s10 =	sadd.s32 $0x3F80, s9;
	[sflag:s25] =	ssyncadd.s32 $0xFFFFF000  }
0xda: {  	s11 =	sadd.s32 $0x2F00, s9  }
0xdb: {  	[tilespmem:s30], [sflag:$0x7] =	stream.indirect.gather [hbm4b:s4+s24], $0x20, s11, s24, $0xb8;
	[tilespmem:$0x12800] =	vst v63  }
0xdc: {  	_ =	swait.ge [sflag:s5], $0x1000  }
0xdd: {  	[sflag:s5] =	ssyncset.done $0x0  }
0xde: {  	[sflag:s5] =	ssyncadd.s32 $0xFFFFF000  }
0xdf: {  	[spmem:s2] =	stream.indirect.scatter.add.f32 [tilespmem:s20], [sflag:$0xA], $0x20, s10, s24, $0xb8;
	[tilespmem:$0x12800] =	vst v63  }
.Ltmp5:
0xe0: {  	_ = 	snop;
	(pc) =	sbr.rel .LBB2_6-.Ltmp5, $4  }
0xe1: {  	_ =	swait.ge [sflag:s25], $0x1000  }
0xe2: {  	[sflag:s25] =	ssyncset.done $0x0  }
0xe3: {  	s17 =	sadd.s32 $0x2F80, s9;
	s7 =	sadd.s32 $0x1000, s7;
	[sflag:s25] =	ssyncadd.s32 $0xFFFFF000  }
0xe4: {  	[tilespmem:s20], [sflag:$0x8] =	stream.indirect.gather [hbm4b:s4+s24], $0x20, s17, s24, $0xb8;
	[tilespmem:$0x12800] =	vst v63  }
.LBB2_9:
0xe5: {  	_ =	sfence.sel $0x180000  }
0xe6: {  	[bflag:$0x0] =	sbarrier.arrive $0xFFFF  }
0xe7: {  	_ =	strace $0x90000047  }
0xe8: {  	s0 =	stileid.u32;
	[bflag:$0x2] =	sbarrier.arrive $0xFFFF  }
0xe9: {  	p0 =	sne.s32 s0, $0x0;
	s0 =	rddreg [dreg:$0x3]  }
0xea: {  	s0 =	sadd.s32 @!p0 $0x100000, s0  }
0xeb: {  	[sflag:s0] =	ssyncadd.tile.s32 @!p0 $0x1;
	_ =	shalt  }
.Lfunc_end2:
_tile_overlayer_lowered:
.L_overlay_start_2:
0xec: {  	(tag) =	ssettag $0x2  }
0xed: {  	s0 =	rddreg [dreg:$0x0];
	s2 =	stileid.u32  }
0xee: {  	s1 =	rddreg [dreg:$0x1];
	p0 =	sne.s32 s2, $0x0  }
0xef: {  	s3 =	rddreg [dreg:$0x2];
	[bflag:$0x3] =	sbarrier.arrive $0xFFFF;
	s2 =	simm.s32 @!p0 $0x1C0A  }
0xf0: {  	[timem:s3], [sflag:s2] =	dma.local @!p0 [hbm:s0], s1  }
0xf1: {  	s0 =	simm.s32 @!p0 $0xA  }
0xf2: {  	_ =	swait.ge @!p0 [sflag:s0], s1  }
0xf3: {  	s1 =	ssub.s32 @!p0 $0x0, s1;
	[sflag:s0] =	ssyncset.done @!p0 $0x0  }
0xf4: {  	[sflag:s0] =	ssyncadd.s32 @!p0 s1  }
0xf5: {  	[bflag:$0x3] =	sbarrier.arrive $0xFFFF  }
0xf6: {  	_ =	shalt  }

</sc_bundles>
